<compile_context>
chip_gen: v7x
topology: tpu7x:2x2x1
jax: 0.10.2.dev20260603
libtpu: 0.0.44.dev20260713+nightly
codegen_flags: <defaults>
</compile_context>

<pallas_src>
import functools

import jax
import jax.numpy as jnp
from jax import lax
from jax.experimental import pallas as pl
from jax.experimental.pallas import tpu as pltpu
from jax.experimental.pallas import tpu_sc as plsc

_BINS = 100
_HMIN = 60.0
_HMAX = 120.0

_BN = 131072
_NC = 2
_NS = 16
_NW = _NC * _NS
_L = 16

_CE = 16384
_DT_OFF = 128


def _bin_index(x):
    t = (x - _HMIN) * _BINS / (_HMAX - _HMIN)
    i0 = jnp.clip(jnp.floor(t).astype(jnp.int32), 0, _BINS - 1)
    valid = (x >= _HMIN) & (x <= _HMAX)
    return jnp.where(valid, i0, _BINS)


def _idx_body(corr_ref, mc_ref, dtc_ref, imc_ref, idt_ref):
    c0 = corr_ref[0]
    c1 = corr_ref[1]
    m0 = mc_ref[0]
    m1 = mc_ref[1]
    f1 = mc_ref[4]
    f2 = mc_ref[5]
    e1 = mc_ref[6]
    e2 = mc_ref[7]
    x_dt = dtc_ref[0, 0]

    q = (c0 * c1) * (m0 * m1)
    de = e1 - e2
    cosh_de = 0.5 * (jnp.exp(de) + jnp.exp(-de))
    mz2 = 2.0 * q * (cosh_de - jnp.cos(f1 - f2))
    mz = jnp.sqrt(jnp.maximum(mz2, 0.0))

    i = pl.program_id(0)
    gidx = lax.broadcasted_iota(jnp.int32, (_BN,), 0) + i * _BN
    ok = gidx < _N
    imc_ref[...] = jnp.where(ok, _bin_index(mz), _BINS)
    idt_ref[...] = jnp.where(ok, _bin_index(x_dt), _BINS)


def _make_sc_body(npad):
    ev = npad // _NW
    kch = ev // _CE

    def body(imc_hbm, idt_hbm, out_hbm, buf0, buf1, hist, sem0, sem1):
        wid = lax.axis_index("s") * _NC + lax.axis_index("c")
        base = wid * ev

        lane = lax.broadcasted_iota(jnp.int32, (_L,), 0)
        ones = jnp.full((_L,), 1.0, jnp.float32)
        zeros = jnp.zeros((_L,), jnp.float32)
        mc_base = lane * 256
        dt_base = lane * 256 + _DT_OFF

        for k in range(256):
            hist[pl.ds(k * _L, _L)] = zeros

        plan = ([(imc_hbm, mc_base, k) for k in range(kch)]
                + [(idt_hbm, dt_base, k) for k in range(kch)])
        bufs = (buf0, buf1)
        sems = (sem0, sem1)

        def start(t):
            src, _, k = plan[t]
            off = pl.multiple_of(base + k * _CE, 8)
            return pltpu.async_copy(src.at[pl.ds(off, _CE)], bufs[t % 2],
                                    sems[t % 2])

        pend = start(0)
        for t in range(len(plan)):
            pend.wait()
            if t + 1 < len(plan):
                pend = start(t + 1)
            buf = bufs[t % 2]
            lane_base = plan[t][1]

            @plsc.parallel_loop(0, _CE // _L, 1, unroll=8)
            def _vec(j):
                v = buf[pl.ds(j * _L, _L)]
                plsc.addupdate_scatter(hist, [lane_base + v], ones)

        pltpu.sync_copy(hist, out_hbm.at[wid])

    return body


def _kl_body(h_ref, out_ref):
    s = jnp.sum(h_ref[...], axis=0, keepdims=True)
    hm = s[:, 0:_BINS]
    hd = s[:, _DT_OFF:_DT_OFF + _BINS]
    pw = jnp.where(hd > 0.0, hd * (jnp.log(jnp.where(hd > 0.0, hd, 1.0)) - hm), 0.0)
    out_ref[...] = (jnp.sum(pw) / float(_BINS)).reshape(1, 1)


def kernel(corr, mc, dt):
    n = corr.shape[0]
    nblk = -(-n // _BN)
    npad = nblk * _BN
    global _N
    _N = n

    corr_t = corr.T
    mc_t = mc.T
    dt_t8 = dt.T[8:9]

    imc, idt = pl.pallas_call(
        _idx_body,
        grid=(nblk,),
        in_specs=[
            pl.BlockSpec((2, _BN), lambda i: (0, i)),
            pl.BlockSpec((8, _BN), lambda i: (0, i)),
            pl.BlockSpec((1, 1, _BN), lambda i: (0, 0, i)),
        ],
        out_specs=[
            pl.BlockSpec((_BN,), lambda i: (i,)),
            pl.BlockSpec((_BN,), lambda i: (i,)),
        ],
        out_shape=[
            jax.ShapeDtypeStruct((npad,), jnp.int32),
            jax.ShapeDtypeStruct((npad,), jnp.int32),
        ],
    )(corr_t, mc_t, dt_t8.reshape(1, 1, n))

    sc_hist = functools.partial(
        pl.kernel,
        mesh=plsc.VectorSubcoreMesh(core_axis_name="c", subcore_axis_name="s"),
        out_type=jax.ShapeDtypeStruct((_NW, _L * 256), jnp.float32),
        scratch_types=[
            pltpu.VMEM((_CE,), jnp.int32),
            pltpu.VMEM((_CE,), jnp.int32),
            pltpu.VMEM((_L * 256,), jnp.float32),
            pltpu.SemaphoreType.DMA,
            pltpu.SemaphoreType.DMA,
        ],
        compiler_params=pltpu.CompilerParams(needs_layout_passes=False),
    )(_make_sc_body(npad))
    hists = sc_hist(imc, idt)

    out = pl.pallas_call(
        _kl_body,
        in_specs=[pl.BlockSpec((_NW * _L, 256), lambda: (0, 0))],
        out_specs=pl.BlockSpec((1, 1), lambda: (0, 0)),
        out_shape=jax.ShapeDtypeStruct((1, 1), jnp.float32),
    )(hists.reshape(_NW * _L, 256))
    return out[0, 0]

# --- scband reference (transcript-rebuilt; emitter-appended) ---
"""Pipeline reference for scband-kl-loss-33071248179743 (READ-ONLY COPY).

The authoritative reference and input builder live on the scoring server;
editing this copy changes nothing except your own understanding.
"""

import jax, jax.numpy as jnp
import numpy as np

BINS = 100
HMIN = 60.0
HMAX = 120.0


def _histc(x, bins, mn, mx):
    # torch.histc semantics: values outside [mn, mx] are ignored; x == mx goes in last bin
    idx = jnp.floor((x - mn) * bins / (mx - mn)).astype(jnp.int32)
    idx = jnp.clip(idx, 0, bins - 1)
    valid = (x >= mn) & (x <= mx)
    idx = jnp.where(valid, idx, bins)  # overflow bucket for out-of-range / NaN
    hist = jnp.zeros(bins + 1, dtype=x.dtype).at[idx].add(1.0)
    return hist[:bins]


def _kl_div_mean(inp, target):
    # F.kl_div(input, target, reduction='mean', log_target=False)
    # pointwise: target * (log(target) - input), zero where target == 0
    pointwise = jnp.where(target > 0, target * (jnp.log(jnp.where(target > 0, target, 1.0)) - inp), 0.0)
    return jnp.mean(pointwise)


def setup_inputs(seed: int = 0) -> dict:
    key = jax.random.key(seed)
    k1, k2, k3 = jax.random.split(key, 3)
    N = 2000000
    # corrections near 1.0, positive
    corr = jax.random.uniform(k1, (N, 2), dtype=jnp.float32) + 0.5
    # mc: pt1, pt2 in (0,3]; phi1, phi2 in [0,3); eta1, eta2 in [0,3)
    mc = jax.random.uniform(k2, (N, 8), dtype=jnp.float32) * 3.0
    # dt: col 8 is the data dimuon mass, placed inside the [60,120] histogram window
    dt = jax.random.uniform(k3, (N, 9), dtype=jnp.float32) * 60.0 + 60.0
    return {"corr": corr, "mc": mc, "dt": dt}


def reference(corr, mc, dt):
    pt_1 = corr[:, 0] * mc[:, 0]
    pt_2 = corr[:, 1] * mc[:, 1]
    px_1 = pt_1 * jnp.cos(mc[:, 4])
    px_2 = pt_2 * jnp.cos(mc[:, 5])
    py_1 = pt_1 * jnp.sin(mc[:, 4])
    py_2 = pt_2 * jnp.sin(mc[:, 5])
    pz_1 = pt_1 * jnp.sinh(mc[:, 6])
    pz_2 = pt_2 * jnp.sinh(mc[:, 7])
    p1 = jnp.sqrt(pt_1 * pt_1 + pz_1 * pz_1)
    p2 = jnp.sqrt(pt_2 * pt_2 + pz_2 * pz_2)
    p1p2 = p1 * p2
    d_ang = jnp.arccos((px_1 * px_2 + py_1 * py_2 + pz_1 * pz_2) / p1p2)
    mz_mc = jnp.sqrt(2.0 * p1p2 * (1.0 - jnp.cos(d_ang)))
    mz_dt = dt[:, 8]
    hist_mc = _histc(mz_mc, BINS, HMIN, HMAX)
    hist_dt = _histc(mz_dt, BINS, HMIN, HMAX)
    return _kl_div_mean(hist_mc, hist_dt)

if __name__ == "__main__":
    import jax
    _d = setup_inputs()
    print(jax.jit(kernel)(*tuple(_d.values())))

</pallas_src>

<mosaic_0001>
#map = affine_map<(d0, d1) -> (0)>
#map1 = affine_map<(d0, d1) -> (0, 0)>
module attributes {stable_mosaic.version = 14 : i64} {
  func.func @body(%arg0: i32, %arg1: i32, %arg2: memref<2097152xi32, #tpu.memory_space<hbm>>, %arg3: memref<2097152xi32, #tpu.memory_space<hbm>>, %arg4: memref<32x4096xf32, #tpu.memory_space<hbm>>, %arg5: memref<16384xi32, #tpu.memory_space<vmem>>, %arg6: memref<16384xi32, #tpu.memory_space<vmem>>, %arg7: memref<4096xf32, #tpu.memory_space<vmem>>, %arg8: memref<!tpu.dma_semaphore, #tpu.memory_space<semaphore_mem>>, %arg9: memref<!tpu.dma_semaphore, #tpu.memory_space<semaphore_mem>>) attributes {dimension_semantics = [#tpu.dimension_semantics<core_parallel>, #tpu.dimension_semantics<subcore_parallel>], iteration_bounds = array<i64: 2, 16>, scalar_prefetch = 0 : i64, scratch_operands = 5 : i64, tpu.core_type = #tpu.core_type<sc_vector_subcore>, window_params = [{transform_indices = #map}, {transform_indices = #map}, {transform_indices = #map1}]} {
    %mul3A = arith.constant 2 : i32
    %mul3A_0 = arith.muli %arg1, %mul3A : i32
    %add3A = arith.addi %mul3A_0, %arg0 : i32
    %mul3A_1 = arith.constant 65536 : i32
    %mul3A_2 = arith.muli %add3A, %mul3A_1 : i32
    %iota3A = tpu.iota {dimensions = array<i32: 0>} : vector<16xi32>
    %broadcast_in_dim3A = arith.constant 1.000000e+00 : f32
    %broadcast_in_dim3A_3 = vector.broadcast %broadcast_in_dim3A : f32 to vector<16xf32>
    %broadcast_in_dim3A_4 = arith.constant 0.000000e+00 : f32
    %broadcast_in_dim3A_5 = vector.broadcast %broadcast_in_dim3A_4 : f32 to vector<16xf32>
    %mul3A_6 = arith.constant 256 : i32
    %mul3A_7 = vector.broadcast %mul3A_6 : i32 to vector<16xi32>
    %mul3A_8 = arith.muli %iota3A, %mul3A_7 : vector<16xi32>
    %mul3A_9 = arith.constant 256 : i32
    %mul3A_10 = vector.broadcast %mul3A_9 : i32 to vector<16xi32>
    %mul3A_11 = arith.muli %iota3A, %mul3A_10 : vector<16xi32>
    %add3A_12 = arith.constant 128 : i32
    %add3A_13 = vector.broadcast %add3A_12 : i32 to vector<16xi32>
    %add3A_14 = arith.addi %mul3A_11, %add3A_13 : vector<16xi32>
    %swap3A = arith.constant 0 : index
    %swap3A_15 = tpu.vector_load %arg7[%swap3A] {strides = array<i32>} : memref<4096xf32, #tpu.memory_space<vmem>>, vector<16xf32>,
    tpu.vector_store %arg7[%swap3A], %broadcast_in_dim3A_5 {strides = array<i32>} : memref<4096xf32, #tpu.memory_space<vmem>>, vector<16xf32>,
    %swap3A_16 = arith.constant 16 : index
    %swap3A_17 = tpu.vector_load %arg7[%swap3A_16] {strides = array<i32>} : memref<4096xf32, #tpu.memory_space<vmem>>, vector<16xf32>,
    tpu.vector_store %arg7[%swap3A_16], %broadcast_in_dim3A_5 {strides = array<i32>} : memref<4096xf32, #tpu.memory_space<vmem>>, vector<16xf32>,
    %swap3A_18 = arith.constant 32 : index
    %swap3A_19 = tpu.vector_load %arg7[%swap3A_18] {strides = array<i32>} : memref<4096xf32, #tpu.memory_space<vmem>>, vector<16xf32>,
    tpu.vector_store %arg7[%swap3A_18], %broadcast_in_dim3A_5 {strides = array<i32>} : memref<4096xf32, #tpu.memory_space<vmem>>, vector<16xf32>,
    %swap3A_20 = arith.constant 48 : index
    %swap3A_21 = tpu.vector_load %arg7[%swap3A_20] {strides = array<i32>} : memref<4096xf32, #tpu.memory_space<vmem>>, vector<16xf32>,
    tpu.vector_store %arg7[%swap3A_20], %broadcast_in_dim3A_5 {strides = array<i32>} : memref<4096xf32, #tpu.memory_space<vmem>>, vector<16xf32>,
    %swap3A_22 = arith.constant 64 : index
    %swap3A_23 = tpu.vector_load %arg7[%swap3A_22] {strides = array<i32>} : memref<4096xf32, #tpu.memory_space<vmem>>, vector<16xf32>,
    tpu.vector_store %arg7[%swap3A_22], %broadcast_in_dim3A_5 {strides = array<i32>} : memref<4096xf32, #tpu.memory_space<vmem>>, vector<16xf32>,
    %swap3A_24 = arith.constant 80 : index
    %swap3A_25 = tpu.vector_load %arg7[%swap3A_24] {strides = array<i32>} : memref<4096xf32, #tpu.memory_space<vmem>>, vector<16xf32>,
    tpu.vector_store %arg7[%swap3A_24], %broadcast_in_dim3A_5 {strides = array<i32>} : memref<4096xf32, #tpu.memory_space<vmem>>, vector<16xf32>,
    %swap3A_26 = arith.constant 96 : index
    %swap3A_27 = tpu.vector_load %arg7[%swap3A_26] {strides = array<i32>} : memref<4096xf32, #tpu.memory_space<vmem>>, vector<16xf32>,
    tpu.vector_store %arg7[%swap3A_26], %broadcast_in_dim3A_5 {strides = array<i32>} : memref<4096xf32, #tpu.memory_space<vmem>>, vector<16xf32>,
    %swap3A_28 = arith.constant 112 : index
    %swap3A_29 = tpu.vector_load %arg7[%swap3A_28] {strides = array<i32>} : memref<4096xf32, #tpu.memory_space<vmem>>, vector<16xf32>,
    tpu.vector_store %arg7[%swap3A_28], %broadcast_in_dim3A_5 {strides = array<i32>} : memref<4096xf32, #tpu.memory_space<vmem>>, vector<16xf32>,
    %swap3A_30 = arith.constant 128 : index
    %swap3A_31 = tpu.vector_load %arg7[%swap3A_30] {strides = array<i32>} : memref<4096xf32, #tpu.memory_space<vmem>>, vector<16xf32>,
    tpu.vector_store %arg7[%swap3A_30], %broadcast_in_dim3A_5 {strides = array<i32>} : memref<4096xf32, #tpu.memory_space<vmem>>, vector<16xf32>,
    %swap3A_32 = arith.constant 144 : index
    %swap3A_33 = tpu.vector_load %arg7[%swap3A_32] {strides = array<i32>} : memref<4096xf32, #tpu.memory_space<vmem>>, vector<16xf32>,
    tpu.vector_store %arg7[%swap3A_32], %broadcast_in_dim3A_5 {strides = array<i32>} : memref<4096xf32, #tpu.memory_space<vmem>>, vector<16xf32>,
    %swap3A_34 = arith.constant 160 : index
    %swap3A_35 = tpu.vector_load %arg7[%swap3A_34] {strides = array<i32>} : memref<4096xf32, #tpu.memory_space<vmem>>, vector<16xf32>,
    tpu.vector_store %arg7[%swap3A_34], %broadcast_in_dim3A_5 {strides = array<i32>} : memref<4096xf32, #tpu.memory_space<vmem>>, vector<16xf32>,
    %swap3A_36 = arith.constant 176 : index
    %swap3A_37 = tpu.vector_load %arg7[%swap3A_36] {strides = array<i32>} : memref<4096xf32, #tpu.memory_space<vmem>>, vector<16xf32>,
    tpu.vector_store %arg7[%swap3A_36], %broadcast_in_dim3A_5 {strides = array<i32>} : memref<4096xf32, #tpu.memory_space<vmem>>, vector<16xf32>,
    %swap3A_38 = arith.constant 192 : index
    %swap3A_39 = tpu.vector_load %arg7[%swap3A_38] {strides = array<i32>} : memref<4096xf32, #tpu.memory_space<vmem>>, vector<16xf32>,
    tpu.vector_store %arg7[%swap3A_38], %broadcast_in_dim3A_5 {strides = array<i32>} : memref<4096xf32, #tpu.memory_space<vmem>>, vector<16xf32>,
    %swap3A_40 = arith.constant 208 : index
    %swap3A_41 = tpu.vector_load %arg7[%swap3A_40] {strides = array<i32>} : memref<4096xf32, #tpu.memory_space<vmem>>, vector<16xf32>,
    tpu.vector_store %arg7[%swap3A_40], %broadcast_in_dim3A_5 {strides = array<i32>} : memref<4096xf32, #tpu.memory_space<vmem>>, vector<16xf32>,
    %swap3A_42 = arith.constant 224 : index
    %swap3A_43 = tpu.vector_load %arg7[%swap3A_42] {strides = array<i32>} : memref<4096xf32, #tpu.memory_space<vmem>>, vector<16xf32>,
    tpu.vector_store %arg7[%swap3A_42], %broadcast_in_dim3A_5 {strides = array<i32>} : memref<4096xf32, #tpu.memory_space<vmem>>, vector<16xf32>,
    %swap3A_44 = arith.constant 240 : index
    %swap3A_45 = tpu.vector_load %arg7[%swap3A_44] {strides = array<i32>} : memref<4096xf32, #tpu.memory_space<vmem>>, vector<16xf32>,
    tpu.vector_store %arg7[%swap3A_44], %broadcast_in_dim3A_5 {strides = array<i32>} : memref<4096xf32, #tpu.memory_space<vmem>>, vector<16xf32>,
    %swap3A_46 = arith.constant 256 : index
    %swap3A_47 = tpu.vector_load %arg7[%swap3A_46] {strides = array<i32>} : memref<4096xf32, #tpu.memory_space<vmem>>, vector<16xf32>,
    tpu.vector_store %arg7[%swap3A_46], %broadcast_in_dim3A_5 {strides = array<i32>} : memref<4096xf32, #tpu.memory_space<vmem>>, vector<16xf32>,
    %swap3A_48 = arith.constant 272 : index
    %swap3A_49 = tpu.vector_load %arg7[%swap3A_48] {strides = array<i32>} : memref<4096xf32, #tpu.memory_space<vmem>>, vector<16xf32>,
    tpu.vector_store %arg7[%swap3A_48], %broadcast_in_dim3A_5 {strides = array<i32>} : memref<4096xf32, #tpu.memory_space<vmem>>, vector<16xf32>,
    %swap3A_50 = arith.constant 288 : index
    %swap3A_51 = tpu.vector_load %arg7[%swap3A_50] {strides = array<i32>} : memref<4096xf32, #tpu.memory_space<vmem>>, vector<16xf32>,
    tpu.vector_store %arg7[%swap3A_50], %broadcast_in_dim3A_5 {strides = array<i32>} : memref<4096xf32, #tpu.memory_space<vmem>>, vector<16xf32>,
    %swap3A_52 = arith.constant 304 : index
    %swap3A_53 = tpu.vector_load %arg7[%swap3A_52] {strides = array<i32>} : memref<4096xf32, #tpu.memory_space<vmem>>, vector<16xf32>,
    tpu.vector_store %arg7[%swap3A_52], %broadcast_in_dim3A_5 {strides = array<i32>} : memref<4096xf32, #tpu.memory_space<vmem>>, vector<16xf32>,
    %swap3A_54 = arith.constant 320 : index
    %swap3A_55 = tpu.vector_load %arg7[%swap3A_54] {strides = array<i32>} : memref<4096xf32, #tpu.memory_space<vmem>>, vector<16xf32>,
    tpu.vector_store %arg7[%swap3A_54], %broadcast_in_dim3A_5 {strides = array<i32>} : memref<4096xf32, #tpu.memory_space<vmem>>, vector<16xf32>,
    %swap3A_56 = arith.constant 336 : index
    %swap3A_57 = tpu.vector_load %arg7[%swap3A_56] {strides = array<i32>} : memref<4096xf32, #tpu.memory_space<vmem>>, vector<16xf32>,
    tpu.vector_store %arg7[%swap3A_56], %broadcast_in_dim3A_5 {strides = array<i32>} : memref<4096xf32, #tpu.memory_space<vmem>>, vector<16xf32>,
    %swap3A_58 = arith.constant 352 : index
    %swap3A_59 = tpu.vector_load %arg7[%swap3A_58] {strides = array<i32>} : memref<4096xf32, #tpu.memory_space<vmem>>, vector<16xf32>,
    tpu.vector_store %arg7[%swap3A_58], %broadcast_in_dim3A_5 {strides = array<i32>} : memref<4096xf32, #tpu.memory_space<vmem>>, vector<16xf32>,
    %swap3A_60 = arith.constant 368 : index
    %swap3A_61 = tpu.vector_load %arg7[%swap3A_60] {strides = array<i32>} : memref<4096xf32, #tpu.memory_space<vmem>>, vector<16xf32>,
    tpu.vector_store %arg7[%swap3A_60], %broadcast_in_dim3A_5 {strides = array<i32>} : memref<4096xf32, #tpu.memory_space<vmem>>, vector<16xf32>,
    %swap3A_62 = arith.constant 384 : index
    %swap3A_63 = tpu.vector_load %arg7[%swap3A_62] {strides = array<i32>} : memref<4096xf32, #tpu.memory_space<vmem>>, vector<16xf32>,
    tpu.vector_store %arg7[%swap3A_62], %broadcast_in_dim3A_5 {strides = array<i32>} : memref<4096xf32, #tpu.memory_space<vmem>>, vector<16xf32>,
    %swap3A_64 = arith.constant 400 : index
    %swap3A_65 = tpu.vector_load %arg7[%swap3A_64] {strides = array<i32>} : memref<4096xf32, #tpu.memory_space<vmem>>, vector<16xf32>,
    tpu.vector_store %arg7[%swap3A_64], %broadcast_in_dim3A_5 {strides = array<i32>} : memref<4096xf32, #tpu.memory_space<vmem>>, vector<16xf32>,
    %swap3A_66 = arith.constant 416 : index
    %swap3A_67 = tpu.vector_load %arg7[%swap3A_66] {strides = array<i32>} : memref<4096xf32, #tpu.memory_space<vmem>>, vector<16xf32>,
    tpu.vector_store %arg7[%swap3A_66], %broadcast_in_dim3A_5 {strides = array<i32>} : memref<4096xf32, #tpu.memory_space<vmem>>, vector<16xf32>,
    %swap3A_68 = arith.constant 432 : index
    %swap3A_69 = tpu.vector_load %arg7[%swap3A_68] {strides = array<i32>} : memref<4096xf32, #tpu.memory_space<vmem>>, vector<16xf32>,
    tpu.vector_store %arg7[%swap3A_68], %broadcast_in_dim3A_5 {strides = array<i32>} : memref<4096xf32, #tpu.memory_space<vmem>>, vector<16xf32>,
    %swap3A_70 = arith.constant 448 : index
    %swap3A_71 = tpu.vector_load %arg7[%swap3A_70] {strides = array<i32>} : memref<4096xf32, #tpu.memory_space<vmem>>, vector<16xf32>,
    tpu.vector_store %arg7[%swap3A_70], %broadcast_in_dim3A_5 {strides = array<i32>} : memref<4096xf32, #tpu.memory_space<vmem>>, vector<16xf32>,
    %swap3A_72 = arith.constant 464 : index
    %swap3A_73 = tpu.vector_load %arg7[%swap3A_72] {strides = array<i32>} : memref<4096xf32, #tpu.memory_space<vmem>>, vector<16xf32>,
    tpu.vector_store %arg7[%swap3A_72], %broadcast_in_dim3A_5 {strides = array<i32>} : memref<4096xf32, #tpu.memory_space<vmem>>, vector<16xf32>,
    %swap3A_74 = arith.constant 480 : index
    %swap3A_75 = tpu.vector_load %arg7[%swap3A_74] {strides = array<i32>} : memref<4096xf32, #tpu.memory_space<vmem>>, vector<16xf32>,
    tpu.vector_store %arg7[%swap3A_74], %broadcast_in_dim3A_5 {strides = array<i32>} : memref<4096xf32, #tpu.memory_space<vmem>>, vector<16xf32>,
    %swap3A_76 = arith.constant 496 : index
    %swap3A_77 = tpu.vector_load %arg7[%swap3A_76] {strides = array<i32>} : memref<4096xf32, #tpu.memory_space<vmem>>, vector<16xf32>,
    tpu.vector_store %arg7[%swap3A_76], %broadcast_in_dim3A_5 {strides = array<i32>} : memref<4096xf32, #tpu.memory_space<vmem>>, vector<16xf32>,
    %swap3A_78 = arith.constant 512 : index
    %swap3A_79 = tpu.vector_load %arg7[%swap3A_78] {strides = array<i32>} : memref<4096xf32, #tpu.memory_space<vmem>>, vector<16xf32>,
    tpu.vector_store %arg7[%swap3A_78], %broadcast_in_dim3A_5 {strides = array<i32>} : memref<4096xf32, #tpu.memory_space<vmem>>, vector<16xf32>,
    %swap3A_80 = arith.constant 528 : index
    %swap3A_81 = tpu.vector_load %arg7[%swap3A_80] {strides = array<i32>} : memref<4096xf32, #tpu.memory_space<vmem>>, vector<16xf32>,
    tpu.vector_store %arg7[%swap3A_80], %broadcast_in_dim3A_5 {strides = array<i32>} : memref<4096xf32, #tpu.memory_space<vmem>>, vector<16xf32>,
    %swap3A_82 = arith.constant 544 : index
    %swap3A_83 = tpu.vector_load %arg7[%swap3A_82] {strides = array<i32>} : memref<4096xf32, #tpu.memory_space<vmem>>, vector<16xf32>,
    tpu.vector_store %arg7[%swap3A_82], %broadcast_in_dim3A_5 {strides = array<i32>} : memref<4096xf32, #tpu.memory_space<vmem>>, vector<16xf32>,
    %swap3A_84 = arith.constant 560 : index
    %swap3A_85 = tpu.vector_load %arg7[%swap3A_84] {strides = array<i32>} : memref<4096xf32, #tpu.memory_space<vmem>>, vector<16xf32>,
    tpu.vector_store %arg7[%swap3A_84], %broadcast_in_dim3A_5 {strides = array<i32>} : memref<4096xf32, #tpu.memory_space<vmem>>, vector<16xf32>,
    %swap3A_86 = arith.constant 576 : index
    %swap3A_87 = tpu.vector_load %arg7[%swap3A_86] {strides = array<i32>} : memref<4096xf32, #tpu.memory_space<vmem>>, vector<16xf32>,
    tpu.vector_store %arg7[%swap3A_86], %broadcast_in_dim3A_5 {strides = array<i32>} : memref<4096xf32, #tpu.memory_space<vmem>>, vector<16xf32>,
    %swap3A_88 = arith.constant 592 : index
    %swap3A_89 = tpu.vector_load %arg7[%swap3A_88] {strides = array<i32>} : memref<4096xf32, #tpu.memory_space<vmem>>, vector<16xf32>,
    tpu.vector_store %arg7[%swap3A_88], %broadcast_in_dim3A_5 {strides = array<i32>} : memref<4096xf32, #tpu.memory_space<vmem>>, vector<16xf32>,
    %swap3A_90 = arith.constant 608 : index
    %swap3A_91 = tpu.vector_load %arg7[%swap3A_90] {strides = array<i32>} : memref<4096xf32, #tpu.memory_space<vmem>>, vector<16xf32>,
    tpu.vector_store %arg7[%swap3A_90], %broadcast_in_dim3A_5 {strides = array<i32>} : memref<4096xf32, #tpu.memory_space<vmem>>, vector<16xf32>,
    %swap3A_92 = arith.constant 624 : index
    %swap3A_93 = tpu.vector_load %arg7[%swap3A_92] {strides = array<i32>} : memref<4096xf32, #tpu.memory_space<vmem>>, vector<16xf32>,
    tpu.vector_store %arg7[%swap3A_92], %broadcast_in_dim3A_5 {strides = array<i32>} : memref<4096xf32, #tpu.memory_space<vmem>>, vector<16xf32>,
    %swap3A_94 = arith.constant 640 : index
    %swap3A_95 = tpu.vector_load %arg7[%swap3A_94] {strides = array<i32>} : memref<4096xf32, #tpu.memory_space<vmem>>, vector<16xf32>,
    tpu.vector_store %arg7[%swap3A_94], %broadcast_in_dim3A_5 {strides = array<i32>} : memref<4096xf32, #tpu.memory_space<vmem>>, vector<16xf32>,
    %swap3A_96 = arith.constant 656 : index
    %swap3A_97 = tpu.vector_load %arg7[%swap3A_96] {strides = array<i32>} : memref<4096xf32, #tpu.memory_space<vmem>>, vector<16xf32>,
    tpu.vector_store %arg7[%swap3A_96], %broadcast_in_dim3A_5 {strides = array<i32>} : memref<4096xf32, #tpu.memory_space<vmem>>, vector<16xf32>,
    %swap3A_98 = arith.constant 672 : index
    %swap3A_99 = tpu.vector_load %arg7[%swap3A_98] {strides = array<i32>} : memref<4096xf32, #tpu.memory_space<vmem>>, vector<16xf32>,
    tpu.vector_store %arg7[%swap3A_98], %broadcast_in_dim3A_5 {strides = array<i32>} : memref<4096xf32, #tpu.memory_space<vmem>>, vector<16xf32>,
    %swap3A_100 = arith.constant 688 : index
    %swap3A_101 = tpu.vector_load %arg7[%swap3A_100] {strides = array<i32>} : memref<4096xf32, #tpu.memory_space<vmem>>, vector<16xf32>,
    tpu.vector_store %arg7[%swap3A_100], %broadcast_in_dim3A_5 {strides = array<i32>} : memref<4096xf32, #tpu.memory_space<vmem>>, vector<16xf32>,
    %swap3A_102 = arith.constant 704 : index
    %swap3A_103 = tpu.vector_load %arg7[%swap3A_102] {strides = array<i32>} : memref<4096xf32, #tpu.memory_space<vmem>>, vector<16xf32>,
    tpu.vector_store %arg7[%swap3A_102], %broadcast_in_dim3A_5 {strides = array<i32>} : memref<4096xf32, #tpu.memory_space<vmem>>, vector<16xf32>,
    %swap3A_104 = arith.constant 720 : index
    %swap3A_105 = tpu.vector_load %arg7[%swap3A_104] {strides = array<i32>} : memref<4096xf32, #tpu.memory_space<vmem>>, vector<16xf32>,
    tpu.vector_store %arg7[%swap3A_104], %broadcast_in_dim3A_5 {strides = array<i32>} : memref<4096xf32, #tpu.memory_space<vmem>>, vector<16xf32>,
    %swap3A_106 = arith.constant 736 : index
    %swap3A_107 = tpu.vector_load %arg7[%swap3A_106] {strides = array<i32>} : memref<4096xf32, #tpu.memory_space<vmem>>, vector<16xf32>,
    tpu.vector_store %arg7[%swap3A_106], %broadcast_in_dim3A_5 {strides = array<i32>} : memref<4096xf32, #tpu.memory_space<vmem>>, vector<16xf32>,
    %swap3A_108 = arith.constant 752 : index
    %swap3A_109 = tpu.vector_load %arg7[%swap3A_108] {strides = array<i32>} : memref<4096xf32, #tpu.memory_space<vmem>>, vector<16xf32>,
    tpu.vector_store %arg7[%swap3A_108], %broadcast_in_dim3A_5 {strides = array<i32>} : memref<4096xf32, #tpu.memory_space<vmem>>, vector<16xf32>,
    %swap3A_110 = arith.constant 768 : index
    %swap3A_111 = tpu.vector_load %arg7[%swap3A_110] {strides = array<i32>} : memref<4096xf32, #tpu.memory_space<vmem>>, vector<16xf32>,
    tpu.vector_store %arg7[%swap3A_110], %broadcast_in_dim3A_5 {strides = array<i32>} : memref<4096xf32, #tpu.memory_space<vmem>>, vector<16xf32>,
    %swap3A_112 = arith.constant 784 : index
    %swap3A_113 = tpu.vector_load %arg7[%swap3A_112] {strides = array<i32>} : memref<4096xf32, #tpu.memory_space<vmem>>, vector<16xf32>,
    tpu.vector_store %arg7[%swap3A_112], %broadcast_in_dim3A_5 {strides = array<i32>} : memref<4096xf32, #tpu.memory_space<vmem>>, vector<16xf32>,
    %swap3A_114 = arith.constant 800 : index
    %swap3A_115 = tpu.vector_load %arg7[%swap3A_114] {strides = array<i32>} : memref<4096xf32, #tpu.memory_space<vmem>>, vector<16xf32>,
    tpu.vector_store %arg7[%swap3A_114], %broadcast_in_dim3A_5 {strides = array<i32>} : memref<4096xf32, #tpu.memory_space<vmem>>, vector<16xf32>,
    %swap3A_116 = arith.constant 816 : index
    %swap3A_117 = tpu.vector_load %arg7[%swap3A_116] {strides = array<i32>} : memref<4096xf32, #tpu.memory_space<vmem>>, vector<16xf32>,
    tpu.vector_store %arg7[%swap3A_116], %broadcast_in_dim3A_5 {strides = array<i32>} : memref<4096xf32, #tpu.memory_space<vmem>>, vector<16xf32>,
    %swap3A_118 = arith.constant 832 : index
    %swap3A_119 = tpu.vector_load %arg7[%swap3A_118] {strides = array<i32>} : memref<4096xf32, #tpu.memory_space<vmem>>, vector<16xf32>,
    tpu.vector_store %arg7[%swap3A_118], %broadcast_in_dim3A_5 {strides = array<i32>} : memref<4096xf32, #tpu.memory_space<vmem>>, vector<16xf32>,
    %swap3A_120 = arith.constant 848 : index
    %swap3A_121 = tpu.vector_load %arg7[%swap3A_120] {strides = array<i32>} : memref<4096xf32, #tpu.memory_space<vmem>>, vector<16xf32>,
    tpu.vector_store %arg7[%swap3A_120], %broadcast_in_dim3A_5 {strides = array<i32>} : memref<4096xf32, #tpu.memory_space<vmem>>, vector<16xf32>,
    %swap3A_122 = arith.constant 864 : index
    %swap3A_123 = tpu.vector_load %arg7[%swap3A_122] {strides = array<i32>} : memref<4096xf32, #tpu.memory_space<vmem>>, vector<16xf32>,
    tpu.vector_store %arg7[%swap3A_122], %broadcast_in_dim3A_5 {strides = array<i32>} : memref<4096xf32, #tpu.memory_space<vmem>>, vector<16xf32>,
    %swap3A_124 = arith.constant 880 : index
    %swap3A_125 = tpu.vector_load %arg7[%swap3A_124] {strides = array<i32>} : memref<4096xf32, #tpu.memory_space<vmem>>, vector<16xf32>,
    tpu.vector_store %arg7[%swap3A_124], %broadcast_in_dim3A_5 {strides = array<i32>} : memref<4096xf32, #tpu.memory_space<vmem>>, vector<16xf32>,
    %swap3A_126 = arith.constant 896 : index
    %swap3A_127 = tpu.vector_load %arg7[%swap3A_126] {strides = array<i32>} : memref<4096xf32, #tpu.memory_space<vmem>>, vector<16xf32>,
    tpu.vector_store %arg7[%swap3A_126], %broadcast_in_dim3A_5 {strides = array<i32>} : memref<4096xf32, #tpu.memory_space<vmem>>, vector<16xf32>,
    %swap3A_128 = arith.constant 912 : index
    %swap3A_129 = tpu.vector_load %arg7[%swap3A_128] {strides = array<i32>} : memref<4096xf32, #tpu.memory_space<vmem>>, vector<16xf32>,
    tpu.vector_store %arg7[%swap3A_128], %broadcast_in_dim3A_5 {strides = array<i32>} : memref<4096xf32, #tpu.memory_space<vmem>>, vector<16xf32>,
    %swap3A_130 = arith.constant 928 : index
    %swap3A_131 = tpu.vector_load %arg7[%swap3A_130] {strides = array<i32>} : memref<4096xf32, #tpu.memory_space<vmem>>, vector<16xf32>,
    tpu.vector_store %arg7[%swap3A_130], %broadcast_in_dim3A_5 {strides = array<i32>} : memref<4096xf32, #tpu.memory_space<vmem>>, vector<16xf32>,
    %swap3A_132 = arith.constant 944 : index
    %swap3A_133 = tpu.vector_load %arg7[%swap3A_132] {strides = array<i32>} : memref<4096xf32, #tpu.memory_space<vmem>>, vector<16xf32>,
    tpu.vector_store %arg7[%swap3A_132], %broadcast_in_dim3A_5 {strides = array<i32>} : memref<4096xf32, #tpu.memory_space<vmem>>, vector<16xf32>,
    %swap3A_134 = arith.constant 960 : index
    %swap3A_135 = tpu.vector_load %arg7[%swap3A_134] {strides = array<i32>} : memref<4096xf32, #tpu.memory_space<vmem>>, vector<16xf32>,
    tpu.vector_store %arg7[%swap3A_134], %broadcast_in_dim3A_5 {strides = array<i32>} : memref<4096xf32, #tpu.memory_space<vmem>>, vector<16xf32>,
    %swap3A_136 = arith.constant 976 : index
    %swap3A_137 = tpu.vector_load %arg7[%swap3A_136] {strides = array<i32>} : memref<4096xf32, #tpu.memory_space<vmem>>, vector<16xf32>,
    tpu.vector_store %arg7[%swap3A_136], %broadcast_in_dim3A_5 {strides = array<i32>} : memref<4096xf32, #tpu.memory_space<vmem>>, vector<16xf32>,
    %swap3A_138 = arith.constant 992 : index
    %swap3A_139 = tpu.vector_load %arg7[%swap3A_138] {strides = array<i32>} : memref<4096xf32, #tpu.memory_space<vmem>>, vector<16xf32>,
    tpu.vector_store %arg7[%swap3A_138], %broadcast_in_dim3A_5 {strides = array<i32>} : memref<4096xf32, #tpu.memory_space<vmem>>, vector<16xf32>,
    %swap3A_140 = arith.constant 1008 : index
    %swap3A_141 = tpu.vector_load %arg7[%swap3A_140] {strides = array<i32>} : memref<4096xf32, #tpu.memory_space<vmem>>, vector<16xf32>,
    tpu.vector_store %arg7[%swap3A_140], %broadcast_in_dim3A_5 {strides = array<i32>} : memref<4096xf32, #tpu.memory_space<vmem>>, vector<16xf32>,
    %swap3A_142 = arith.constant 1024 : index
    %swap3A_143 = tpu.vector_load %arg7[%swap3A_142] {strides = array<i32>} : memref<4096xf32, #tpu.memory_space<vmem>>, vector<16xf32>,
    tpu.vector_store %arg7[%swap3A_142], %broadcast_in_dim3A_5 {strides = array<i32>} : memref<4096xf32, #tpu.memory_space<vmem>>, vector<16xf32>,
    %swap3A_144 = arith.constant 1040 : index
    %swap3A_145 = tpu.vector_load %arg7[%swap3A_144] {strides = array<i32>} : memref<4096xf32, #tpu.memory_space<vmem>>, vector<16xf32>,
    tpu.vector_store %arg7[%swap3A_144], %broadcast_in_dim3A_5 {strides = array<i32>} : memref<4096xf32, #tpu.memory_space<vmem>>, vector<16xf32>,
    %swap3A_146 = arith.constant 1056 : index
    %swap3A_147 = tpu.vector_load %arg7[%swap3A_146] {strides = array<i32>} : memref<4096xf32, #tpu.memory_space<vmem>>, vector<16xf32>,
    tpu.vector_store %arg7[%swap3A_146], %broadcast_in_dim3A_5 {strides = array<i32>} : memref<4096xf32, #tpu.memory_space<vmem>>, vector<16xf32>,
    %swap3A_148 = arith.constant 1072 : index
    %swap3A_149 = tpu.vector_load %arg7[%swap3A_148] {strides = array<i32>} : memref<4096xf32, #tpu.memory_space<vmem>>, vector<16xf32>,
    tpu.vector_store %arg7[%swap3A_148], %broadcast_in_dim3A_5 {strides = array<i32>} : memref<4096xf32, #tpu.memory_space<vmem>>, vector<16xf32>,
    %swap3A_150 = arith.constant 1088 : index
    %swap3A_151 = tpu.vector_load %arg7[%swap3A_150] {strides = array<i32>} : memref<4096xf32, #tpu.memory_space<vmem>>, vector<16xf32>,
    tpu.vector_store %arg7[%swap3A_150], %broadcast_in_dim3A_5 {strides = array<i32>} : memref<4096xf32, #tpu.memory_space<vmem>>, vector<16xf32>,
    %swap3A_152 = arith.constant 1104 : index
    %swap3A_153 = tpu.vector_load %arg7[%swap3A_152] {strides = array<i32>} : memref<4096xf32, #tpu.memory_space<vmem>>, vector<16xf32>,
    tpu.vector_store %arg7[%swap3A_152], %broadcast_in_dim3A_5 {strides = array<i32>} : memref<4096xf32, #tpu.memory_space<vmem>>, vector<16xf32>,
    %swap3A_154 = arith.constant 1120 : index
    %swap3A_155 = tpu.vector_load %arg7[%swap3A_154] {strides = array<i32>} : memref<4096xf32, #tpu.memory_space<vmem>>, vector<16xf32>,
    tpu.vector_store %arg7[%swap3A_154], %broadcast_in_dim3A_5 {strides = array<i32>} : memref<4096xf32, #tpu.memory_space<vmem>>, vector<16xf32>,
    %swap3A_156 = arith.constant 1136 : index
    %swap3A_157 = tpu.vector_load %arg7[%swap3A_156] {strides = array<i32>} : memref<4096xf32, #tpu.memory_space<vmem>>, vector<16xf32>,
    tpu.vector_store %arg7[%swap3A_156], %broadcast_in_dim3A_5 {strides = array<i32>} : memref<4096xf32, #tpu.memory_space<vmem>>, vector<16xf32>,
    %swap3A_158 = arith.constant 1152 : index
    %swap3A_159 = tpu.vector_load %arg7[%swap3A_158] {strides = array<i32>} : memref<4096xf32, #tpu.memory_space<vmem>>, vector<16xf32>,
    tpu.vector_store %arg7[%swap3A_158], %broadcast_in_dim3A_5 {strides = array<i32>} : memref<4096xf32, #tpu.memory_space<vmem>>, vector<16xf32>,
    %swap3A_160 = arith.constant 1168 : index
    %swap3A_161 = tpu.vector_load %arg7[%swap3A_160] {strides = array<i32>} : memref<4096xf32, #tpu.memory_space<vmem>>, vector<16xf32>,
    tpu.vector_store %arg7[%swap3A_160], %broadcast_in_dim3A_5 {strides = array<i32>} : memref<4096xf32, #tpu.memory_space<vmem>>, vector<16xf32>,
    %swap3A_162 = arith.constant 1184 : index
    %swap3A_163 = tpu.vector_load %arg7[%swap3A_162] {strides = array<i32>} : memref<4096xf32, #tpu.memory_space<vmem>>, vector<16xf32>,
    tpu.vector_store %arg7[%swap3A_162], %broadcast_in_dim3A_5 {strides = array<i32>} : memref<4096xf32, #tpu.memory_space<vmem>>, vector<16xf32>,
    %swap3A_164 = arith.constant 1200 : index
    %swap3A_165 = tpu.vector_load %arg7[%swap3A_164] {strides = array<i32>} : memref<4096xf32, #tpu.memory_space<vmem>>, vector<16xf32>,
    tpu.vector_store %arg7[%swap3A_164], %broadcast_in_dim3A_5 {strides = array<i32>} : memref<4096xf32, #tpu.memory_space<vmem>>, vector<16xf32>,
    %swap3A_166 = arith.constant 1216 : index
    %swap3A_167 = tpu.vector_load %arg7[%swap3A_166] {strides = array<i32>} : memref<4096xf32, #tpu.memory_space<vmem>>, vector<16xf32>,
    tpu.vector_store %arg7[%swap3A_166], %broadcast_in_dim3A_5 {strides = array<i32>} : memref<4096xf32, #tpu.memory_space<vmem>>, vector<16xf32>,
    %swap3A_168 = arith.constant 1232 : index
    %swap3A_169 = tpu.vector_load %arg7[%swap3A_168] {strides = array<i32>} : memref<4096xf32, #tpu.memory_space<vmem>>, vector<16xf32>,
    tpu.vector_store %arg7[%swap3A_168], %broadcast_in_dim3A_5 {strides = array<i32>} : memref<4096xf32, #tpu.memory_space<vmem>>, vector<16xf32>,
    %swap3A_170 = arith.constant 1248 : index
    %swap3A_171 = tpu.vector_load %arg7[%swap3A_170] {strides = array<i32>} : memref<4096xf32, #tpu.memory_space<vmem>>, vector<16xf32>,
    tpu.vector_store %arg7[%swap3A_170], %broadcast_in_dim3A_5 {strides = array<i32>} : memref<4096xf32, #tpu.memory_space<vmem>>, vector<16xf32>,
    %swap3A_172 = arith.constant 1264 : index
    %swap3A_173 = tpu.vector_load %arg7[%swap3A_172] {strides = array<i32>} : memref<4096xf32, #tpu.memory_space<vmem>>, vector<16xf32>,
    tpu.vector_store %arg7[%swap3A_172], %broadcast_in_dim3A_5 {strides = array<i32>} : memref<4096xf32, #tpu.memory_space<vmem>>, vector<16xf32>,
    %swap3A_174 = arith.constant 1280 : index
    %swap3A_175 = tpu.vector_load %arg7[%swap3A_174] {strides = array<i32>} : memref<4096xf32, #tpu.memory_space<vmem>>, vector<16xf32>,
    tpu.vector_store %arg7[%swap3A_174], %broadcast_in_dim3A_5 {strides = array<i32>} : memref<4096xf32, #tpu.memory_space<vmem>>, vector<16xf32>,
    %swap3A_176 = arith.constant 1296 : index
    %swap3A_177 = tpu.vector_load %arg7[%swap3A_176] {strides = array<i32>} : memref<4096xf32, #tpu.memory_space<vmem>>, vector<16xf32>,
    tpu.vector_store %arg7[%swap3A_176], %broadcast_in_dim3A_5 {strides = array<i32>} : memref<4096xf32, #tpu.memory_space<vmem>>, vector<16xf32>,
    %swap3A_178 = arith.constant 1312 : index
    %swap3A_179 = tpu.vector_load %arg7[%swap3A_178] {strides = array<i32>} : memref<4096xf32, #tpu.memory_space<vmem>>, vector<16xf32>,
    tpu.vector_store %arg7[%swap3A_178], %broadcast_in_dim3A_5 {strides = array<i32>} : memref<4096xf32, #tpu.memory_space<vmem>>, vector<16xf32>,
    %swap3A_180 = arith.constant 1328 : index
    %swap3A_181 = tpu.vector_load %arg7[%swap3A_180] {strides = array<i32>} : memref<4096xf32, #tpu.memory_space<vmem>>, vector<16xf32>,
    tpu.vector_store %arg7[%swap3A_180], %broadcast_in_dim3A_5 {strides = array<i32>} : memref<4096xf32, #tpu.memory_space<vmem>>, vector<16xf32>,
    %swap3A_182 = arith.constant 1344 : index
    %swap3A_183 = tpu.vector_load %arg7[%swap3A_182] {strides = array<i32>} : memref<4096xf32, #tpu.memory_space<vmem>>, vector<16xf32>,
    tpu.vector_store %arg7[%swap3A_182], %broadcast_in_dim3A_5 {strides = array<i32>} : memref<4096xf32, #tpu.memory_space<vmem>>, vector<16xf32>,
    %swap3A_184 = arith.constant 1360 : index
    %swap3A_185 = tpu.vector_load %arg7[%swap3A_184] {strides = array<i32>} : memref<4096xf32, #tpu.memory_space<vmem>>, vector<16xf32>,
    tpu.vector_store %arg7[%swap3A_184], %broadcast_in_dim3A_5 {strides = array<i32>} : memref<4096xf32, #tpu.memory_space<vmem>>, vector<16xf32>,
    %swap3A_186 = arith.constant 1376 : index
    %swap3A_187 = tpu.vector_load %arg7[%swap3A_186] {strides = array<i32>} : memref<4096xf32, #tpu.memory_space<vmem>>, vector<16xf32>,
    tpu.vector_store %arg7[%swap3A_186], %broadcast_in_dim3A_5 {strides = array<i32>} : memref<4096xf32, #tpu.memory_space<vmem>>, vector<16xf32>,
    %swap3A_188 = arith.constant 1392 : index
    %swap3A_189 = tpu.vector_load %arg7[%swap3A_188] {strides = array<i32>} : memref<4096xf32, #tpu.memory_space<vmem>>, vector<16xf32>,
    tpu.vector_store %arg7[%swap3A_188], %broadcast_in_dim3A_5 {strides = array<i32>} : memref<4096xf32, #tpu.memory_space<vmem>>, vector<16xf32>,
    %swap3A_190 = arith.constant 1408 : index
    %swap3A_191 = tpu.vector_load %arg7[%swap3A_190] {strides = array<i32>} : memref<4096xf32, #tpu.memory_space<vmem>>, vector<16xf32>,
    tpu.vector_store %arg7[%swap3A_190], %broadcast_in_dim3A_5 {strides = array<i32>} : memref<4096xf32, #tpu.memory_space<vmem>>, vector<16xf32>,
    %swap3A_192 = arith.constant 1424 : index
    %swap3A_193 = tpu.vector_load %arg7[%swap3A_192] {strides = array<i32>} : memref<4096xf32, #tpu.memory_space<vmem>>, vector<16xf32>,
    tpu.vector_store %arg7[%swap3A_192], %broadcast_in_dim3A_5 {strides = array<i32>} : memref<4096xf32, #tpu.memory_space<vmem>>, vector<16xf32>,
    %swap3A_194 = arith.constant 1440 : index
    %swap3A_195 = tpu.vector_load %arg7[%swap3A_194] {strides = array<i32>} : memref<4096xf32, #tpu.memory_space<vmem>>, vector<16xf32>,
    tpu.vector_store %arg7[%swap3A_194], %broadcast_in_dim3A_5 {strides = array<i32>} : memref<4096xf32, #tpu.memory_space<vmem>>, vector<16xf32>,
    %swap3A_196 = arith.constant 1456 : index
    %swap3A_197 = tpu.vector_load %arg7[%swap3A_196] {strides = array<i32>} : memref<4096xf32, #tpu.memory_space<vmem>>, vector<16xf32>,
    tpu.vector_store %arg7[%swap3A_196], %broadcast_in_dim3A_5 {strides = array<i32>} : memref<4096xf32, #tpu.memory_space<vmem>>, vector<16xf32>,
    %swap3A_198 = arith.constant 1472 : index
    %swap3A_199 = tpu.vector_load %arg7[%swap3A_198] {strides = array<i32>} : memref<4096xf32, #tpu.memory_space<vmem>>, vector<16xf32>,
    tpu.vector_store %arg7[%swap3A_198], %broadcast_in_dim3A_5 {strides = array<i32>} : memref<4096xf32, #tpu.memory_space<vmem>>, vector<16xf32>,
    %swap3A_200 = arith.constant 1488 : index
    %swap3A_201 = tpu.vector_load %arg7[%swap3A_200] {strides = array<i32>} : memref<4096xf32, #tpu.memory_space<vmem>>, vector<16xf32>,
    tpu.vector_store %arg7[%swap3A_200], %broadcast_in_dim3A_5 {strides = array<i32>} : memref<4096xf32, #tpu.memory_space<vmem>>, vector<16xf32>,
    %swap3A_202 = arith.constant 1504 : index
    %swap3A_203 = tpu.vector_load %arg7[%swap3A_202] {strides = array<i32>} : memref<4096xf32, #tpu.memory_space<vmem>>, vector<16xf32>,
    tpu.vector_store %arg7[%swap3A_202], %broadcast_in_dim3A_5 {strides = array<i32>} : memref<4096xf32, #tpu.memory_space<vmem>>, vector<16xf32>,
    %swap3A_204 = arith.constant 1520 : index
    %swap3A_205 = tpu.vector_load %arg7[%swap3A_204] {strides = array<i32>} : memref<4096xf32, #tpu.memory_space<vmem>>, vector<16xf32>,
    tpu.vector_store %arg7[%swap3A_204], %broadcast_in_dim3A_5 {strides = array<i32>} : memref<4096xf32, #tpu.memory_space<vmem>>, vector<16xf32>,
    %swap3A_206 = arith.constant 1536 : index
    %swap3A_207 = tpu.vector_load %arg7[%swap3A_206] {strides = array<i32>} : memref<4096xf32, #tpu.memory_space<vmem>>, vector<16xf32>,
    tpu.vector_store %arg7[%swap3A_206], %broadcast_in_dim3A_5 {strides = array<i32>} : memref<4096xf32, #tpu.memory_space<vmem>>, vector<16xf32>,
    %swap3A_208 = arith.constant 1552 : index
    %swap3A_209 = tpu.vector_load %arg7[%swap3A_208] {strides = array<i32>} : memref<4096xf32, #tpu.memory_space<vmem>>, vector<16xf32>,
    tpu.vector_store %arg7[%swap3A_208], %broadcast_in_dim3A_5 {strides = array<i32>} : memref<4096xf32, #tpu.memory_space<vmem>>, vector<16xf32>,
    %swap3A_210 = arith.constant 1568 : index
    %swap3A_211 = tpu.vector_load %arg7[%swap3A_210] {strides = array<i32>} : memref<4096xf32, #tpu.memory_space<vmem>>, vector<16xf32>,
    tpu.vector_store %arg7[%swap3A_210], %broadcast_in_dim3A_5 {strides = array<i32>} : memref<4096xf32, #tpu.memory_space<vmem>>, vector<16xf32>,
    %swap3A_212 = arith.constant 1584 : index
    %swap3A_213 = tpu.vector_load %arg7[%swap3A_212] {strides = array<i32>} : memref<4096xf32, #tpu.memory_space<vmem>>, vector<16xf32>,
    tpu.vector_store %arg7[%swap3A_212], %broadcast_in_dim3A_5 {strides = array<i32>} : memref<4096xf32, #tpu.memory_space<vmem>>, vector<16xf32>,
    %swap3A_214 = arith.constant 1600 : index
    %swap3A_215 = tpu.vector_load %arg7[%swap3A_214] {strides = array<i32>} : memref<4096xf32, #tpu.memory_space<vmem>>, vector<16xf32>,
    tpu.vector_store %arg7[%swap3A_214], %broadcast_in_dim3A_5 {strides = array<i32>} : memref<4096xf32, #tpu.memory_space<vmem>>, vector<16xf32>,
    %swap3A_216 = arith.constant 1616 : index
    %swap3A_217 = tpu.vector_load %arg7[%swap3A_216] {strides = array<i32>} : memref<4096xf32, #tpu.memory_space<vmem>>, vector<16xf32>,
    tpu.vector_store %arg7[%swap3A_216], %broadcast_in_dim3A_5 {strides = array<i32>} : memref<4096xf32, #tpu.memory_space<vmem>>, vector<16xf32>,
    %swap3A_218 = arith.constant 1632 : index
    %swap3A_219 = tpu.vector_load %arg7[%swap3A_218] {strides = array<i32>} : memref<4096xf32, #tpu.memory_space<vmem>>, vector<16xf32>,
    tpu.vector_store %arg7[%swap3A_218], %broadcast_in_dim3A_5 {strides = array<i32>} : memref<4096xf32, #tpu.memory_space<vmem>>, vector<16xf32>,
    %swap3A_220 = arith.constant 1648 : index
    %swap3A_221 = tpu.vector_load %arg7[%swap3A_220] {strides = array<i32>} : memref<4096xf32, #tpu.memory_space<vmem>>, vector<16xf32>,
    tpu.vector_store %arg7[%swap3A_220], %broadcast_in_dim3A_5 {strides = array<i32>} : memref<4096xf32, #tpu.memory_space<vmem>>, vector<16xf32>,
    %swap3A_222 = arith.constant 1664 : index
    %swap3A_223 = tpu.vector_load %arg7[%swap3A_222] {strides = array<i32>} : memref<4096xf32, #tpu.memory_space<vmem>>, vector<16xf32>,
    tpu.vector_store %arg7[%swap3A_222], %broadcast_in_dim3A_5 {strides = array<i32>} : memref<4096xf32, #tpu.memory_space<vmem>>, vector<16xf32>,
    %swap3A_224 = arith.constant 1680 : index
    %swap3A_225 = tpu.vector_load %arg7[%swap3A_224] {strides = array<i32>} : memref<4096xf32, #tpu.memory_space<vmem>>, vector<16xf32>,
    tpu.vector_store %arg7[%swap3A_224], %broadcast_in_dim3A_5 {strides = array<i32>} : memref<4096xf32, #tpu.memory_space<vmem>>, vector<16xf32>,
    %swap3A_226 = arith.constant 1696 : index
    %swap3A_227 = tpu.vector_load %arg7[%swap3A_226] {strides = array<i32>} : memref<4096xf32, #tpu.memory_space<vmem>>, vector<16xf32>,
    tpu.vector_store %arg7[%swap3A_226], %broadcast_in_dim3A_5 {strides = array<i32>} : memref<4096xf32, #tpu.memory_space<vmem>>, vector<16xf32>,
    %swap3A_228 = arith.constant 1712 : index
    %swap3A_229 = tpu.vector_load %arg7[%swap3A_228] {strides = array<i32>} : memref<4096xf32, #tpu.memory_space<vmem>>, vector<16xf32>,
    tpu.vector_store %arg7[%swap3A_228], %broadcast_in_dim3A_5 {strides = array<i32>} : memref<4096xf32, #tpu.memory_space<vmem>>, vector<16xf32>,
    %swap3A_230 = arith.constant 1728 : index
    %swap3A_231 = tpu.vector_load %arg7[%swap3A_230] {strides = array<i32>} : memref<4096xf32, #tpu.memory_space<vmem>>, vector<16xf32>,
    tpu.vector_store %arg7[%swap3A_230], %broadcast_in_dim3A_5 {strides = array<i32>} : memref<4096xf32, #tpu.memory_space<vmem>>, vector<16xf32>,
    %swap3A_232 = arith.constant 1744 : index
    %swap3A_233 = tpu.vector_load %arg7[%swap3A_232] {strides = array<i32>} : memref<4096xf32, #tpu.memory_space<vmem>>, vector<16xf32>,
    tpu.vector_store %arg7[%swap3A_232], %broadcast_in_dim3A_5 {strides = array<i32>} : memref<4096xf32, #tpu.memory_space<vmem>>, vector<16xf32>,
    %swap3A_234 = arith.constant 1760 : index
    %swap3A_235 = tpu.vector_load %arg7[%swap3A_234] {strides = array<i32>} : memref<4096xf32, #tpu.memory_space<vmem>>, vector<16xf32>,
    tpu.vector_store %arg7[%swap3A_234], %broadcast_in_dim3A_5 {strides = array<i32>} : memref<4096xf32, #tpu.memory_space<vmem>>, vector<16xf32>,
    %swap3A_236 = arith.constant 1776 : index
    %swap3A_237 = tpu.vector_load %arg7[%swap3A_236] {strides = array<i32>} : memref<4096xf32, #tpu.memory_space<vmem>>, vector<16xf32>,
    tpu.vector_store %arg7[%swap3A_236], %broadcast_in_dim3A_5 {strides = array<i32>} : memref<4096xf32, #tpu.memory_space<vmem>>, vector<16xf32>,
    %swap3A_238 = arith.constant 1792 : index
    %swap3A_239 = tpu.vector_load %arg7[%swap3A_238] {strides = array<i32>} : memref<4096xf32, #tpu.memory_space<vmem>>, vector<16xf32>,
    tpu.vector_store %arg7[%swap3A_238], %broadcast_in_dim3A_5 {strides = array<i32>} : memref<4096xf32, #tpu.memory_space<vmem>>, vector<16xf32>,
    %swap3A_240 = arith.constant 1808 : index
    %swap3A_241 = tpu.vector_load %arg7[%swap3A_240] {strides = array<i32>} : memref<4096xf32, #tpu.memory_space<vmem>>, vector<16xf32>,
    tpu.vector_store %arg7[%swap3A_240], %broadcast_in_dim3A_5 {strides = array<i32>} : memref<4096xf32, #tpu.memory_space<vmem>>, vector<16xf32>,
    %swap3A_242 = arith.constant 1824 : index
    %swap3A_243 = tpu.vector_load %arg7[%swap3A_242] {strides = array<i32>} : memref<4096xf32, #tpu.memory_space<vmem>>, vector<16xf32>,
    tpu.vector_store %arg7[%swap3A_242], %broadcast_in_dim3A_5 {strides = array<i32>} : memref<4096xf32, #tpu.memory_space<vmem>>, vector<16xf32>,
    %swap3A_244 = arith.constant 1840 : index
    %swap3A_245 = tpu.vector_load %arg7[%swap3A_244] {strides = array<i32>} : memref<4096xf32, #tpu.memory_space<vmem>>, vector<16xf32>,
    tpu.vector_store %arg7[%swap3A_244], %broadcast_in_dim3A_5 {strides = array<i32>} : memref<4096xf32, #tpu.memory_space<vmem>>, vector<16xf32>,
    %swap3A_246 = arith.constant 1856 : index
    %swap3A_247 = tpu.vector_load %arg7[%swap3A_246] {strides = array<i32>} : memref<4096xf32, #tpu.memory_space<vmem>>, vector<16xf32>,
    tpu.vector_store %arg7[%swap3A_246], %broadcast_in_dim3A_5 {strides = array<i32>} : memref<4096xf32, #tpu.memory_space<vmem>>, vector<16xf32>,
    %swap3A_248 = arith.constant 1872 : index
    %swap3A_249 = tpu.vector_load %arg7[%swap3A_248] {strides = array<i32>} : memref<4096xf32, #tpu.memory_space<vmem>>, vector<16xf32>,
    tpu.vector_store %arg7[%swap3A_248], %broadcast_in_dim3A_5 {strides = array<i32>} : memref<4096xf32, #tpu.memory_space<vmem>>, vector<16xf32>,
    %swap3A_250 = arith.constant 1888 : index
    %swap3A_251 = tpu.vector_load %arg7[%swap3A_250] {strides = array<i32>} : memref<4096xf32, #tpu.memory_space<vmem>>, vector<16xf32>,
    tpu.vector_store %arg7[%swap3A_250], %broadcast_in_dim3A_5 {strides = array<i32>} : memref<4096xf32, #tpu.memory_space<vmem>>, vector<16xf32>,
    %swap3A_252 = arith.constant 1904 : index
    %swap3A_253 = tpu.vector_load %arg7[%swap3A_252] {strides = array<i32>} : memref<4096xf32, #tpu.memory_space<vmem>>, vector<16xf32>,
    tpu.vector_store %arg7[%swap3A_252], %broadcast_in_dim3A_5 {strides = array<i32>} : memref<4096xf32, #tpu.memory_space<vmem>>, vector<16xf32>,
    %swap3A_254 = arith.constant 1920 : index
    %swap3A_255 = tpu.vector_load %arg7[%swap3A_254] {strides = array<i32>} : memref<4096xf32, #tpu.memory_space<vmem>>, vector<16xf32>,
    tpu.vector_store %arg7[%swap3A_254], %broadcast_in_dim3A_5 {strides = array<i32>} : memref<4096xf32, #tpu.memory_space<vmem>>, vector<16xf32>,
    %swap3A_256 = arith.constant 1936 : index
    %swap3A_257 = tpu.vector_load %arg7[%swap3A_256] {strides = array<i32>} : memref<4096xf32, #tpu.memory_space<vmem>>, vector<16xf32>,
    tpu.vector_store %arg7[%swap3A_256], %broadcast_in_dim3A_5 {strides = array<i32>} : memref<4096xf32, #tpu.memory_space<vmem>>, vector<16xf32>,
    %swap3A_258 = arith.constant 1952 : index
    %swap3A_259 = tpu.vector_load %arg7[%swap3A_258] {strides = array<i32>} : memref<4096xf32, #tpu.memory_space<vmem>>, vector<16xf32>,
    tpu.vector_store %arg7[%swap3A_258], %broadcast_in_dim3A_5 {strides = array<i32>} : memref<4096xf32, #tpu.memory_space<vmem>>, vector<16xf32>,
    %swap3A_260 = arith.constant 1968 : index
    %swap3A_261 = tpu.vector_load %arg7[%swap3A_260] {strides = array<i32>} : memref<4096xf32, #tpu.memory_space<vmem>>, vector<16xf32>,
    tpu.vector_store %arg7[%swap3A_260], %broadcast_in_dim3A_5 {strides = array<i32>} : memref<4096xf32, #tpu.memory_space<vmem>>, vector<16xf32>,
    %swap3A_262 = arith.constant 1984 : index
    %swap3A_263 = tpu.vector_load %arg7[%swap3A_262] {strides = array<i32>} : memref<4096xf32, #tpu.memory_space<vmem>>, vector<16xf32>,
    tpu.vector_store %arg7[%swap3A_262], %broadcast_in_dim3A_5 {strides = array<i32>} : memref<4096xf32, #tpu.memory_space<vmem>>, vector<16xf32>,
    %swap3A_264 = arith.constant 2000 : index
    %swap3A_265 = tpu.vector_load %arg7[%swap3A_264] {strides = array<i32>} : memref<4096xf32, #tpu.memory_space<vmem>>, vector<16xf32>,
    tpu.vector_store %arg7[%swap3A_264], %broadcast_in_dim3A_5 {strides = array<i32>} : memref<4096xf32, #tpu.memory_space<vmem>>, vector<16xf32>,
    %swap3A_266 = arith.constant 2016 : index
    %swap3A_267 = tpu.vector_load %arg7[%swap3A_266] {strides = array<i32>} : memref<4096xf32, #tpu.memory_space<vmem>>, vector<16xf32>,
    tpu.vector_store %arg7[%swap3A_266], %broadcast_in_dim3A_5 {strides = array<i32>} : memref<4096xf32, #tpu.memory_space<vmem>>, vector<16xf32>,
    %swap3A_268 = arith.constant 2032 : index
    %swap3A_269 = tpu.vector_load %arg7[%swap3A_268] {strides = array<i32>} : memref<4096xf32, #tpu.memory_space<vmem>>, vector<16xf32>,
    tpu.vector_store %arg7[%swap3A_268], %broadcast_in_dim3A_5 {strides = array<i32>} : memref<4096xf32, #tpu.memory_space<vmem>>, vector<16xf32>,
    %swap3A_270 = arith.constant 2048 : index
    %swap3A_271 = tpu.vector_load %arg7[%swap3A_270] {strides = array<i32>} : memref<4096xf32, #tpu.memory_space<vmem>>, vector<16xf32>,
    tpu.vector_store %arg7[%swap3A_270], %broadcast_in_dim3A_5 {strides = array<i32>} : memref<4096xf32, #tpu.memory_space<vmem>>, vector<16xf32>,
    %swap3A_272 = arith.constant 2064 : index
    %swap3A_273 = tpu.vector_load %arg7[%swap3A_272] {strides = array<i32>} : memref<4096xf32, #tpu.memory_space<vmem>>, vector<16xf32>,
    tpu.vector_store %arg7[%swap3A_272], %broadcast_in_dim3A_5 {strides = array<i32>} : memref<4096xf32, #tpu.memory_space<vmem>>, vector<16xf32>,
    %swap3A_274 = arith.constant 2080 : index
    %swap3A_275 = tpu.vector_load %arg7[%swap3A_274] {strides = array<i32>} : memref<4096xf32, #tpu.memory_space<vmem>>, vector<16xf32>,
    tpu.vector_store %arg7[%swap3A_274], %broadcast_in_dim3A_5 {strides = array<i32>} : memref<4096xf32, #tpu.memory_space<vmem>>, vector<16xf32>,
    %swap3A_276 = arith.constant 2096 : index
    %swap3A_277 = tpu.vector_load %arg7[%swap3A_276] {strides = array<i32>} : memref<4096xf32, #tpu.memory_space<vmem>>, vector<16xf32>,
    tpu.vector_store %arg7[%swap3A_276], %broadcast_in_dim3A_5 {strides = array<i32>} : memref<4096xf32, #tpu.memory_space<vmem>>, vector<16xf32>,
    %swap3A_278 = arith.constant 2112 : index
    %swap3A_279 = tpu.vector_load %arg7[%swap3A_278] {strides = array<i32>} : memref<4096xf32, #tpu.memory_space<vmem>>, vector<16xf32>,
    tpu.vector_store %arg7[%swap3A_278], %broadcast_in_dim3A_5 {strides = array<i32>} : memref<4096xf32, #tpu.memory_space<vmem>>, vector<16xf32>,
    %swap3A_280 = arith.constant 2128 : index
    %swap3A_281 = tpu.vector_load %arg7[%swap3A_280] {strides = array<i32>} : memref<4096xf32, #tpu.memory_space<vmem>>, vector<16xf32>,
    tpu.vector_store %arg7[%swap3A_280], %broadcast_in_dim3A_5 {strides = array<i32>} : memref<4096xf32, #tpu.memory_space<vmem>>, vector<16xf32>,
    %swap3A_282 = arith.constant 2144 : index
    %swap3A_283 = tpu.vector_load %arg7[%swap3A_282] {strides = array<i32>} : memref<4096xf32, #tpu.memory_space<vmem>>, vector<16xf32>,
    tpu.vector_store %arg7[%swap3A_282], %broadcast_in_dim3A_5 {strides = array<i32>} : memref<4096xf32, #tpu.memory_space<vmem>>, vector<16xf32>,
    %swap3A_284 = arith.constant 2160 : index
    %swap3A_285 = tpu.vector_load %arg7[%swap3A_284] {strides = array<i32>} : memref<4096xf32, #tpu.memory_space<vmem>>, vector<16xf32>,
    tpu.vector_store %arg7[%swap3A_284], %broadcast_in_dim3A_5 {strides = array<i32>} : memref<4096xf32, #tpu.memory_space<vmem>>, vector<16xf32>,
    %swap3A_286 = arith.constant 2176 : index
    %swap3A_287 = tpu.vector_load %arg7[%swap3A_286] {strides = array<i32>} : memref<4096xf32, #tpu.memory_space<vmem>>, vector<16xf32>,
    tpu.vector_store %arg7[%swap3A_286], %broadcast_in_dim3A_5 {strides = array<i32>} : memref<4096xf32, #tpu.memory_space<vmem>>, vector<16xf32>,
    %swap3A_288 = arith.constant 2192 : index
    %swap3A_289 = tpu.vector_load %arg7[%swap3A_288] {strides = array<i32>} : memref<4096xf32, #tpu.memory_space<vmem>>, vector<16xf32>,
    tpu.vector_store %arg7[%swap3A_288], %broadcast_in_dim3A_5 {strides = array<i32>} : memref<4096xf32, #tpu.memory_space<vmem>>, vector<16xf32>,
    %swap3A_290 = arith.constant 2208 : index
    %swap3A_291 = tpu.vector_load %arg7[%swap3A_290] {strides = array<i32>} : memref<4096xf32, #tpu.memory_space<vmem>>, vector<16xf32>,
    tpu.vector_store %arg7[%swap3A_290], %broadcast_in_dim3A_5 {strides = array<i32>} : memref<4096xf32, #tpu.memory_space<vmem>>, vector<16xf32>,
    %swap3A_292 = arith.constant 2224 : index
    %swap3A_293 = tpu.vector_load %arg7[%swap3A_292] {strides = array<i32>} : memref<4096xf32, #tpu.memory_space<vmem>>, vector<16xf32>,
    tpu.vector_store %arg7[%swap3A_292], %broadcast_in_dim3A_5 {strides = array<i32>} : memref<4096xf32, #tpu.memory_space<vmem>>, vector<16xf32>,
    %swap3A_294 = arith.constant 2240 : index
    %swap3A_295 = tpu.vector_load %arg7[%swap3A_294] {strides = array<i32>} : memref<4096xf32, #tpu.memory_space<vmem>>, vector<16xf32>,
    tpu.vector_store %arg7[%swap3A_294], %broadcast_in_dim3A_5 {strides = array<i32>} : memref<4096xf32, #tpu.memory_space<vmem>>, vector<16xf32>,
    %swap3A_296 = arith.constant 2256 : index
    %swap3A_297 = tpu.vector_load %arg7[%swap3A_296] {strides = array<i32>} : memref<4096xf32, #tpu.memory_space<vmem>>, vector<16xf32>,
    tpu.vector_store %arg7[%swap3A_296], %broadcast_in_dim3A_5 {strides = array<i32>} : memref<4096xf32, #tpu.memory_space<vmem>>, vector<16xf32>,
    %swap3A_298 = arith.constant 2272 : index
    %swap3A_299 = tpu.vector_load %arg7[%swap3A_298] {strides = array<i32>} : memref<4096xf32, #tpu.memory_space<vmem>>, vector<16xf32>,
    tpu.vector_store %arg7[%swap3A_298], %broadcast_in_dim3A_5 {strides = array<i32>} : memref<4096xf32, #tpu.memory_space<vmem>>, vector<16xf32>,
    %swap3A_300 = arith.constant 2288 : index
    %swap3A_301 = tpu.vector_load %arg7[%swap3A_300] {strides = array<i32>} : memref<4096xf32, #tpu.memory_space<vmem>>, vector<16xf32>,
    tpu.vector_store %arg7[%swap3A_300], %broadcast_in_dim3A_5 {strides = array<i32>} : memref<4096xf32, #tpu.memory_space<vmem>>, vector<16xf32>,
    %swap3A_302 = arith.constant 2304 : index
    %swap3A_303 = tpu.vector_load %arg7[%swap3A_302] {strides = array<i32>} : memref<4096xf32, #tpu.memory_space<vmem>>, vector<16xf32>,
    tpu.vector_store %arg7[%swap3A_302], %broadcast_in_dim3A_5 {strides = array<i32>} : memref<4096xf32, #tpu.memory_space<vmem>>, vector<16xf32>,
    %swap3A_304 = arith.constant 2320 : index
    %swap3A_305 = tpu.vector_load %arg7[%swap3A_304] {strides = array<i32>} : memref<4096xf32, #tpu.memory_space<vmem>>, vector<16xf32>,
    tpu.vector_store %arg7[%swap3A_304], %broadcast_in_dim3A_5 {strides = array<i32>} : memref<4096xf32, #tpu.memory_space<vmem>>, vector<16xf32>,
    %swap3A_306 = arith.constant 2336 : index
    %swap3A_307 = tpu.vector_load %arg7[%swap3A_306] {strides = array<i32>} : memref<4096xf32, #tpu.memory_space<vmem>>, vector<16xf32>,
    tpu.vector_store %arg7[%swap3A_306], %broadcast_in_dim3A_5 {strides = array<i32>} : memref<4096xf32, #tpu.memory_space<vmem>>, vector<16xf32>,
    %swap3A_308 = arith.constant 2352 : index
    %swap3A_309 = tpu.vector_load %arg7[%swap3A_308] {strides = array<i32>} : memref<4096xf32, #tpu.memory_space<vmem>>, vector<16xf32>,
    tpu.vector_store %arg7[%swap3A_308], %broadcast_in_dim3A_5 {strides = array<i32>} : memref<4096xf32, #tpu.memory_space<vmem>>, vector<16xf32>,
    %swap3A_310 = arith.constant 2368 : index
    %swap3A_311 = tpu.vector_load %arg7[%swap3A_310] {strides = array<i32>} : memref<4096xf32, #tpu.memory_space<vmem>>, vector<16xf32>,
    tpu.vector_store %arg7[%swap3A_310], %broadcast_in_dim3A_5 {strides = array<i32>} : memref<4096xf32, #tpu.memory_space<vmem>>, vector<16xf32>,
    %swap3A_312 = arith.constant 2384 : index
    %swap3A_313 = tpu.vector_load %arg7[%swap3A_312] {strides = array<i32>} : memref<4096xf32, #tpu.memory_space<vmem>>, vector<16xf32>,
    tpu.vector_store %arg7[%swap3A_312], %broadcast_in_dim3A_5 {strides = array<i32>} : memref<4096xf32, #tpu.memory_space<vmem>>, vector<16xf32>,
    %swap3A_314 = arith.constant 2400 : index
    %swap3A_315 = tpu.vector_load %arg7[%swap3A_314] {strides = array<i32>} : memref<4096xf32, #tpu.memory_space<vmem>>, vector<16xf32>,
    tpu.vector_store %arg7[%swap3A_314], %broadcast_in_dim3A_5 {strides = array<i32>} : memref<4096xf32, #tpu.memory_space<vmem>>, vector<16xf32>,
    %swap3A_316 = arith.constant 2416 : index
    %swap3A_317 = tpu.vector_load %arg7[%swap3A_316] {strides = array<i32>} : memref<4096xf32, #tpu.memory_space<vmem>>, vector<16xf32>,
    tpu.vector_store %arg7[%swap3A_316], %broadcast_in_dim3A_5 {strides = array<i32>} : memref<4096xf32, #tpu.memory_space<vmem>>, vector<16xf32>,
    %swap3A_318 = arith.constant 2432 : index
    %swap3A_319 = tpu.vector_load %arg7[%swap3A_318] {strides = array<i32>} : memref<4096xf32, #tpu.memory_space<vmem>>, vector<16xf32>,
    tpu.vector_store %arg7[%swap3A_318], %broadcast_in_dim3A_5 {strides = array<i32>} : memref<4096xf32, #tpu.memory_space<vmem>>, vector<16xf32>,
    %swap3A_320 = arith.constant 2448 : index
    %swap3A_321 = tpu.vector_load %arg7[%swap3A_320] {strides = array<i32>} : memref<4096xf32, #tpu.memory_space<vmem>>, vector<16xf32>,
    tpu.vector_store %arg7[%swap3A_320], %broadcast_in_dim3A_5 {strides = array<i32>} : memref<4096xf32, #tpu.memory_space<vmem>>, vector<16xf32>,
    %swap3A_322 = arith.constant 2464 : index
    %swap3A_323 = tpu.vector_load %arg7[%swap3A_322] {strides = array<i32>} : memref<4096xf32, #tpu.memory_space<vmem>>, vector<16xf32>,
    tpu.vector_store %arg7[%swap3A_322], %broadcast_in_dim3A_5 {strides = array<i32>} : memref<4096xf32, #tpu.memory_space<vmem>>, vector<16xf32>,
    %swap3A_324 = arith.constant 2480 : index
    %swap3A_325 = tpu.vector_load %arg7[%swap3A_324] {strides = array<i32>} : memref<4096xf32, #tpu.memory_space<vmem>>, vector<16xf32>,
    tpu.vector_store %arg7[%swap3A_324], %broadcast_in_dim3A_5 {strides = array<i32>} : memref<4096xf32, #tpu.memory_space<vmem>>, vector<16xf32>,
    %swap3A_326 = arith.constant 2496 : index
    %swap3A_327 = tpu.vector_load %arg7[%swap3A_326] {strides = array<i32>} : memref<4096xf32, #tpu.memory_space<vmem>>, vector<16xf32>,
    tpu.vector_store %arg7[%swap3A_326], %broadcast_in_dim3A_5 {strides = array<i32>} : memref<4096xf32, #tpu.memory_space<vmem>>, vector<16xf32>,
    %swap3A_328 = arith.constant 2512 : index
    %swap3A_329 = tpu.vector_load %arg7[%swap3A_328] {strides = array<i32>} : memref<4096xf32, #tpu.memory_space<vmem>>, vector<16xf32>,
    tpu.vector_store %arg7[%swap3A_328], %broadcast_in_dim3A_5 {strides = array<i32>} : memref<4096xf32, #tpu.memory_space<vmem>>, vector<16xf32>,
    %swap3A_330 = arith.constant 2528 : index
    %swap3A_331 = tpu.vector_load %arg7[%swap3A_330] {strides = array<i32>} : memref<4096xf32, #tpu.memory_space<vmem>>, vector<16xf32>,
    tpu.vector_store %arg7[%swap3A_330], %broadcast_in_dim3A_5 {strides = array<i32>} : memref<4096xf32, #tpu.memory_space<vmem>>, vector<16xf32>,
    %swap3A_332 = arith.constant 2544 : index
    %swap3A_333 = tpu.vector_load %arg7[%swap3A_332] {strides = array<i32>} : memref<4096xf32, #tpu.memory_space<vmem>>, vector<16xf32>,
    tpu.vector_store %arg7[%swap3A_332], %broadcast_in_dim3A_5 {strides = array<i32>} : memref<4096xf32, #tpu.memory_space<vmem>>, vector<16xf32>,
    %swap3A_334 = arith.constant 2560 : index
    %swap3A_335 = tpu.vector_load %arg7[%swap3A_334] {strides = array<i32>} : memref<4096xf32, #tpu.memory_space<vmem>>, vector<16xf32>,
    tpu.vector_store %arg7[%swap3A_334], %broadcast_in_dim3A_5 {strides = array<i32>} : memref<4096xf32, #tpu.memory_space<vmem>>, vector<16xf32>,
    %swap3A_336 = arith.constant 2576 : index
    %swap3A_337 = tpu.vector_load %arg7[%swap3A_336] {strides = array<i32>} : memref<4096xf32, #tpu.memory_space<vmem>>, vector<16xf32>,
    tpu.vector_store %arg7[%swap3A_336], %broadcast_in_dim3A_5 {strides = array<i32>} : memref<4096xf32, #tpu.memory_space<vmem>>, vector<16xf32>,
    %swap3A_338 = arith.constant 2592 : index
    %swap3A_339 = tpu.vector_load %arg7[%swap3A_338] {strides = array<i32>} : memref<4096xf32, #tpu.memory_space<vmem>>, vector<16xf32>,
    tpu.vector_store %arg7[%swap3A_338], %broadcast_in_dim3A_5 {strides = array<i32>} : memref<4096xf32, #tpu.memory_space<vmem>>, vector<16xf32>,
    %swap3A_340 = arith.constant 2608 : index
    %swap3A_341 = tpu.vector_load %arg7[%swap3A_340] {strides = array<i32>} : memref<4096xf32, #tpu.memory_space<vmem>>, vector<16xf32>,
    tpu.vector_store %arg7[%swap3A_340], %broadcast_in_dim3A_5 {strides = array<i32>} : memref<4096xf32, #tpu.memory_space<vmem>>, vector<16xf32>,
    %swap3A_342 = arith.constant 2624 : index
    %swap3A_343 = tpu.vector_load %arg7[%swap3A_342] {strides = array<i32>} : memref<4096xf32, #tpu.memory_space<vmem>>, vector<16xf32>,
    tpu.vector_store %arg7[%swap3A_342], %broadcast_in_dim3A_5 {strides = array<i32>} : memref<4096xf32, #tpu.memory_space<vmem>>, vector<16xf32>,
    %swap3A_344 = arith.constant 2640 : index
    %swap3A_345 = tpu.vector_load %arg7[%swap3A_344] {strides = array<i32>} : memref<4096xf32, #tpu.memory_space<vmem>>, vector<16xf32>,
    tpu.vector_store %arg7[%swap3A_344], %broadcast_in_dim3A_5 {strides = array<i32>} : memref<4096xf32, #tpu.memory_space<vmem>>, vector<16xf32>,
    %swap3A_346 = arith.constant 2656 : index
    %swap3A_347 = tpu.vector_load %arg7[%swap3A_346] {strides = array<i32>} : memref<4096xf32, #tpu.memory_space<vmem>>, vector<16xf32>,
    tpu.vector_store %arg7[%swap3A_346], %broadcast_in_dim3A_5 {strides = array<i32>} : memref<4096xf32, #tpu.memory_space<vmem>>, vector<16xf32>,
    %swap3A_348 = arith.constant 2672 : index
    %swap3A_349 = tpu.vector_load %arg7[%swap3A_348] {strides = array<i32>} : memref<4096xf32, #tpu.memory_space<vmem>>, vector<16xf32>,
    tpu.vector_store %arg7[%swap3A_348], %broadcast_in_dim3A_5 {strides = array<i32>} : memref<4096xf32, #tpu.memory_space<vmem>>, vector<16xf32>,
    %swap3A_350 = arith.constant 2688 : index
    %swap3A_351 = tpu.vector_load %arg7[%swap3A_350] {strides = array<i32>} : memref<4096xf32, #tpu.memory_space<vmem>>, vector<16xf32>,
    tpu.vector_store %arg7[%swap3A_350], %broadcast_in_dim3A_5 {strides = array<i32>} : memref<4096xf32, #tpu.memory_space<vmem>>, vector<16xf32>,
    %swap3A_352 = arith.constant 2704 : index
    %swap3A_353 = tpu.vector_load %arg7[%swap3A_352] {strides = array<i32>} : memref<4096xf32, #tpu.memory_space<vmem>>, vector<16xf32>,
    tpu.vector_store %arg7[%swap3A_352], %broadcast_in_dim3A_5 {strides = array<i32>} : memref<4096xf32, #tpu.memory_space<vmem>>, vector<16xf32>,
    %swap3A_354 = arith.constant 2720 : index
    %swap3A_355 = tpu.vector_load %arg7[%swap3A_354] {strides = array<i32>} : memref<4096xf32, #tpu.memory_space<vmem>>, vector<16xf32>,
    tpu.vector_store %arg7[%swap3A_354], %broadcast_in_dim3A_5 {strides = array<i32>} : memref<4096xf32, #tpu.memory_space<vmem>>, vector<16xf32>,
    %swap3A_356 = arith.constant 2736 : index
    %swap3A_357 = tpu.vector_load %arg7[%swap3A_356] {strides = array<i32>} : memref<4096xf32, #tpu.memory_space<vmem>>, vector<16xf32>,
    tpu.vector_store %arg7[%swap3A_356], %broadcast_in_dim3A_5 {strides = array<i32>} : memref<4096xf32, #tpu.memory_space<vmem>>, vector<16xf32>,
    %swap3A_358 = arith.constant 2752 : index
    %swap3A_359 = tpu.vector_load %arg7[%swap3A_358] {strides = array<i32>} : memref<4096xf32, #tpu.memory_space<vmem>>, vector<16xf32>,
    tpu.vector_store %arg7[%swap3A_358], %broadcast_in_dim3A_5 {strides = array<i32>} : memref<4096xf32, #tpu.memory_space<vmem>>, vector<16xf32>,
    %swap3A_360 = arith.constant 2768 : index
    %swap3A_361 = tpu.vector_load %arg7[%swap3A_360] {strides = array<i32>} : memref<4096xf32, #tpu.memory_space<vmem>>, vector<16xf32>,
    tpu.vector_store %arg7[%swap3A_360], %broadcast_in_dim3A_5 {strides = array<i32>} : memref<4096xf32, #tpu.memory_space<vmem>>, vector<16xf32>,
    %swap3A_362 = arith.constant 2784 : index
    %swap3A_363 = tpu.vector_load %arg7[%swap3A_362] {strides = array<i32>} : memref<4096xf32, #tpu.memory_space<vmem>>, vector<16xf32>,
    tpu.vector_store %arg7[%swap3A_362], %broadcast_in_dim3A_5 {strides = array<i32>} : memref<4096xf32, #tpu.memory_space<vmem>>, vector<16xf32>,
    %swap3A_364 = arith.constant 2800 : index
    %swap3A_365 = tpu.vector_load %arg7[%swap3A_364] {strides = array<i32>} : memref<4096xf32, #tpu.memory_space<vmem>>, vector<16xf32>,
    tpu.vector_store %arg7[%swap3A_364], %broadcast_in_dim3A_5 {strides = array<i32>} : memref<4096xf32, #tpu.memory_space<vmem>>, vector<16xf32>,
    %swap3A_366 = arith.constant 2816 : index
    %swap3A_367 = tpu.vector_load %arg7[%swap3A_366] {strides = array<i32>} : memref<4096xf32, #tpu.memory_space<vmem>>, vector<16xf32>,
    tpu.vector_store %arg7[%swap3A_366], %broadcast_in_dim3A_5 {strides = array<i32>} : memref<4096xf32, #tpu.memory_space<vmem>>, vector<16xf32>,
    %swap3A_368 = arith.constant 2832 : index
    %swap3A_369 = tpu.vector_load %arg7[%swap3A_368] {strides = array<i32>} : memref<4096xf32, #tpu.memory_space<vmem>>, vector<16xf32>,
    tpu.vector_store %arg7[%swap3A_368], %broadcast_in_dim3A_5 {strides = array<i32>} : memref<4096xf32, #tpu.memory_space<vmem>>, vector<16xf32>,
    %swap3A_370 = arith.constant 2848 : index
    %swap3A_371 = tpu.vector_load %arg7[%swap3A_370] {strides = array<i32>} : memref<4096xf32, #tpu.memory_space<vmem>>, vector<16xf32>,
    tpu.vector_store %arg7[%swap3A_370], %broadcast_in_dim3A_5 {strides = array<i32>} : memref<4096xf32, #tpu.memory_space<vmem>>, vector<16xf32>,
    %swap3A_372 = arith.constant 2864 : index
    %swap3A_373 = tpu.vector_load %arg7[%swap3A_372] {strides = array<i32>} : memref<4096xf32, #tpu.memory_space<vmem>>, vector<16xf32>,
    tpu.vector_store %arg7[%swap3A_372], %broadcast_in_dim3A_5 {strides = array<i32>} : memref<4096xf32, #tpu.memory_space<vmem>>, vector<16xf32>,
    %swap3A_374 = arith.constant 2880 : index
    %swap3A_375 = tpu.vector_load %arg7[%swap3A_374] {strides = array<i32>} : memref<4096xf32, #tpu.memory_space<vmem>>, vector<16xf32>,
    tpu.vector_store %arg7[%swap3A_374], %broadcast_in_dim3A_5 {strides = array<i32>} : memref<4096xf32, #tpu.memory_space<vmem>>, vector<16xf32>,
    %swap3A_376 = arith.constant 2896 : index
    %swap3A_377 = tpu.vector_load %arg7[%swap3A_376] {strides = array<i32>} : memref<4096xf32, #tpu.memory_space<vmem>>, vector<16xf32>,
    tpu.vector_store %arg7[%swap3A_376], %broadcast_in_dim3A_5 {strides = array<i32>} : memref<4096xf32, #tpu.memory_space<vmem>>, vector<16xf32>,
    %swap3A_378 = arith.constant 2912 : index
    %swap3A_379 = tpu.vector_load %arg7[%swap3A_378] {strides = array<i32>} : memref<4096xf32, #tpu.memory_space<vmem>>, vector<16xf32>,
    tpu.vector_store %arg7[%swap3A_378], %broadcast_in_dim3A_5 {strides = array<i32>} : memref<4096xf32, #tpu.memory_space<vmem>>, vector<16xf32>,
    %swap3A_380 = arith.constant 2928 : index
    %swap3A_381 = tpu.vector_load %arg7[%swap3A_380] {strides = array<i32>} : memref<4096xf32, #tpu.memory_space<vmem>>, vector<16xf32>,
    tpu.vector_store %arg7[%swap3A_380], %broadcast_in_dim3A_5 {strides = array<i32>} : memref<4096xf32, #tpu.memory_space<vmem>>, vector<16xf32>,
    %swap3A_382 = arith.constant 2944 : index
    %swap3A_383 = tpu.vector_load %arg7[%swap3A_382] {strides = array<i32>} : memref<4096xf32, #tpu.memory_space<vmem>>, vector<16xf32>,
    tpu.vector_store %arg7[%swap3A_382], %broadcast_in_dim3A_5 {strides = array<i32>} : memref<4096xf32, #tpu.memory_space<vmem>>, vector<16xf32>,
    %swap3A_384 = arith.constant 2960 : index
    %swap3A_385 = tpu.vector_load %arg7[%swap3A_384] {strides = array<i32>} : memref<4096xf32, #tpu.memory_space<vmem>>, vector<16xf32>,
    tpu.vector_store %arg7[%swap3A_384], %broadcast_in_dim3A_5 {strides = array<i32>} : memref<4096xf32, #tpu.memory_space<vmem>>, vector<16xf32>,
    %swap3A_386 = arith.constant 2976 : index
    %swap3A_387 = tpu.vector_load %arg7[%swap3A_386] {strides = array<i32>} : memref<4096xf32, #tpu.memory_space<vmem>>, vector<16xf32>,
    tpu.vector_store %arg7[%swap3A_386], %broadcast_in_dim3A_5 {strides = array<i32>} : memref<4096xf32, #tpu.memory_space<vmem>>, vector<16xf32>,
    %swap3A_388 = arith.constant 2992 : index
    %swap3A_389 = tpu.vector_load %arg7[%swap3A_388] {strides = array<i32>} : memref<4096xf32, #tpu.memory_space<vmem>>, vector<16xf32>,
    tpu.vector_store %arg7[%swap3A_388], %broadcast_in_dim3A_5 {strides = array<i32>} : memref<4096xf32, #tpu.memory_space<vmem>>, vector<16xf32>,
    %swap3A_390 = arith.constant 3008 : index
    %swap3A_391 = tpu.vector_load %arg7[%swap3A_390] {strides = array<i32>} : memref<4096xf32, #tpu.memory_space<vmem>>, vector<16xf32>,
    tpu.vector_store %arg7[%swap3A_390], %broadcast_in_dim3A_5 {strides = array<i32>} : memref<4096xf32, #tpu.memory_space<vmem>>, vector<16xf32>,
    %swap3A_392 = arith.constant 3024 : index
    %swap3A_393 = tpu.vector_load %arg7[%swap3A_392] {strides = array<i32>} : memref<4096xf32, #tpu.memory_space<vmem>>, vector<16xf32>,
    tpu.vector_store %arg7[%swap3A_392], %broadcast_in_dim3A_5 {strides = array<i32>} : memref<4096xf32, #tpu.memory_space<vmem>>, vector<16xf32>,
    %swap3A_394 = arith.constant 3040 : index
    %swap3A_395 = tpu.vector_load %arg7[%swap3A_394] {strides = array<i32>} : memref<4096xf32, #tpu.memory_space<vmem>>, vector<16xf32>,
    tpu.vector_store %arg7[%swap3A_394], %broadcast_in_dim3A_5 {strides = array<i32>} : memref<4096xf32, #tpu.memory_space<vmem>>, vector<16xf32>,
    %swap3A_396 = arith.constant 3056 : index
    %swap3A_397 = tpu.vector_load %arg7[%swap3A_396] {strides = array<i32>} : memref<4096xf32, #tpu.memory_space<vmem>>, vector<16xf32>,
    tpu.vector_store %arg7[%swap3A_396], %broadcast_in_dim3A_5 {strides = array<i32>} : memref<4096xf32, #tpu.memory_space<vmem>>, vector<16xf32>,
    %swap3A_398 = arith.constant 3072 : index
    %swap3A_399 = tpu.vector_load %arg7[%swap3A_398] {strides = array<i32>} : memref<4096xf32, #tpu.memory_space<vmem>>, vector<16xf32>,
    tpu.vector_store %arg7[%swap3A_398], %broadcast_in_dim3A_5 {strides = array<i32>} : memref<4096xf32, #tpu.memory_space<vmem>>, vector<16xf32>,
    %swap3A_400 = arith.constant 3088 : index
    %swap3A_401 = tpu.vector_load %arg7[%swap3A_400] {strides = array<i32>} : memref<4096xf32, #tpu.memory_space<vmem>>, vector<16xf32>,
    tpu.vector_store %arg7[%swap3A_400], %broadcast_in_dim3A_5 {strides = array<i32>} : memref<4096xf32, #tpu.memory_space<vmem>>, vector<16xf32>,
    %swap3A_402 = arith.constant 3104 : index
    %swap3A_403 = tpu.vector_load %arg7[%swap3A_402] {strides = array<i32>} : memref<4096xf32, #tpu.memory_space<vmem>>, vector<16xf32>,
    tpu.vector_store %arg7[%swap3A_402], %broadcast_in_dim3A_5 {strides = array<i32>} : memref<4096xf32, #tpu.memory_space<vmem>>, vector<16xf32>,
    %swap3A_404 = arith.constant 3120 : index
    %swap3A_405 = tpu.vector_load %arg7[%swap3A_404] {strides = array<i32>} : memref<4096xf32, #tpu.memory_space<vmem>>, vector<16xf32>,
    tpu.vector_store %arg7[%swap3A_404], %broadcast_in_dim3A_5 {strides = array<i32>} : memref<4096xf32, #tpu.memory_space<vmem>>, vector<16xf32>,
    %swap3A_406 = arith.constant 3136 : index
    %swap3A_407 = tpu.vector_load %arg7[%swap3A_406] {strides = array<i32>} : memref<4096xf32, #tpu.memory_space<vmem>>, vector<16xf32>,
    tpu.vector_store %arg7[%swap3A_406], %broadcast_in_dim3A_5 {strides = array<i32>} : memref<4096xf32, #tpu.memory_space<vmem>>, vector<16xf32>,
    %swap3A_408 = arith.constant 3152 : index
    %swap3A_409 = tpu.vector_load %arg7[%swap3A_408] {strides = array<i32>} : memref<4096xf32, #tpu.memory_space<vmem>>, vector<16xf32>,
    tpu.vector_store %arg7[%swap3A_408], %broadcast_in_dim3A_5 {strides = array<i32>} : memref<4096xf32, #tpu.memory_space<vmem>>, vector<16xf32>,
    %swap3A_410 = arith.constant 3168 : index
    %swap3A_411 = tpu.vector_load %arg7[%swap3A_410] {strides = array<i32>} : memref<4096xf32, #tpu.memory_space<vmem>>, vector<16xf32>,
    tpu.vector_store %arg7[%swap3A_410], %broadcast_in_dim3A_5 {strides = array<i32>} : memref<4096xf32, #tpu.memory_space<vmem>>, vector<16xf32>,
    %swap3A_412 = arith.constant 3184 : index
    %swap3A_413 = tpu.vector_load %arg7[%swap3A_412] {strides = array<i32>} : memref<4096xf32, #tpu.memory_space<vmem>>, vector<16xf32>,
    tpu.vector_store %arg7[%swap3A_412], %broadcast_in_dim3A_5 {strides = array<i32>} : memref<4096xf32, #tpu.memory_space<vmem>>, vector<16xf32>,
    %swap3A_414 = arith.constant 3200 : index
    %swap3A_415 = tpu.vector_load %arg7[%swap3A_414] {strides = array<i32>} : memref<4096xf32, #tpu.memory_space<vmem>>, vector<16xf32>,
    tpu.vector_store %arg7[%swap3A_414], %broadcast_in_dim3A_5 {strides = array<i32>} : memref<4096xf32, #tpu.memory_space<vmem>>, vector<16xf32>,
    %swap3A_416 = arith.constant 3216 : index
    %swap3A_417 = tpu.vector_load %arg7[%swap3A_416] {strides = array<i32>} : memref<4096xf32, #tpu.memory_space<vmem>>, vector<16xf32>,
    tpu.vector_store %arg7[%swap3A_416], %broadcast_in_dim3A_5 {strides = array<i32>} : memref<4096xf32, #tpu.memory_space<vmem>>, vector<16xf32>,
    %swap3A_418 = arith.constant 3232 : index
    %swap3A_419 = tpu.vector_load %arg7[%swap3A_418] {strides = array<i32>} : memref<4096xf32, #tpu.memory_space<vmem>>, vector<16xf32>,
    tpu.vector_store %arg7[%swap3A_418], %broadcast_in_dim3A_5 {strides = array<i32>} : memref<4096xf32, #tpu.memory_space<vmem>>, vector<16xf32>,
    %swap3A_420 = arith.constant 3248 : index
    %swap3A_421 = tpu.vector_load %arg7[%swap3A_420] {strides = array<i32>} : memref<4096xf32, #tpu.memory_space<vmem>>, vector<16xf32>,
    tpu.vector_store %arg7[%swap3A_420], %broadcast_in_dim3A_5 {strides = array<i32>} : memref<4096xf32, #tpu.memory_space<vmem>>, vector<16xf32>,
    %swap3A_422 = arith.constant 3264 : index
    %swap3A_423 = tpu.vector_load %arg7[%swap3A_422] {strides = array<i32>} : memref<4096xf32, #tpu.memory_space<vmem>>, vector<16xf32>,
    tpu.vector_store %arg7[%swap3A_422], %broadcast_in_dim3A_5 {strides = array<i32>} : memref<4096xf32, #tpu.memory_space<vmem>>, vector<16xf32>,
    %swap3A_424 = arith.constant 3280 : index
    %swap3A_425 = tpu.vector_load %arg7[%swap3A_424] {strides = array<i32>} : memref<4096xf32, #tpu.memory_space<vmem>>, vector<16xf32>,
    tpu.vector_store %arg7[%swap3A_424], %broadcast_in_dim3A_5 {strides = array<i32>} : memref<4096xf32, #tpu.memory_space<vmem>>, vector<16xf32>,
    %swap3A_426 = arith.constant 3296 : index
    %swap3A_427 = tpu.vector_load %arg7[%swap3A_426] {strides = array<i32>} : memref<4096xf32, #tpu.memory_space<vmem>>, vector<16xf32>,
    tpu.vector_store %arg7[%swap3A_426], %broadcast_in_dim3A_5 {strides = array<i32>} : memref<4096xf32, #tpu.memory_space<vmem>>, vector<16xf32>,
    %swap3A_428 = arith.constant 3312 : index
    %swap3A_429 = tpu.vector_load %arg7[%swap3A_428] {strides = array<i32>} : memref<4096xf32, #tpu.memory_space<vmem>>, vector<16xf32>,
    tpu.vector_store %arg7[%swap3A_428], %broadcast_in_dim3A_5 {strides = array<i32>} : memref<4096xf32, #tpu.memory_space<vmem>>, vector<16xf32>,
    %swap3A_430 = arith.constant 3328 : index
    %swap3A_431 = tpu.vector_load %arg7[%swap3A_430] {strides = array<i32>} : memref<4096xf32, #tpu.memory_space<vmem>>, vector<16xf32>,
    tpu.vector_store %arg7[%swap3A_430], %broadcast_in_dim3A_5 {strides = array<i32>} : memref<4096xf32, #tpu.memory_space<vmem>>, vector<16xf32>,
    %swap3A_432 = arith.constant 3344 : index
    %swap3A_433 = tpu.vector_load %arg7[%swap3A_432] {strides = array<i32>} : memref<4096xf32, #tpu.memory_space<vmem>>, vector<16xf32>,
    tpu.vector_store %arg7[%swap3A_432], %broadcast_in_dim3A_5 {strides = array<i32>} : memref<4096xf32, #tpu.memory_space<vmem>>, vector<16xf32>,
    %swap3A_434 = arith.constant 3360 : index
    %swap3A_435 = tpu.vector_load %arg7[%swap3A_434] {strides = array<i32>} : memref<4096xf32, #tpu.memory_space<vmem>>, vector<16xf32>,
    tpu.vector_store %arg7[%swap3A_434], %broadcast_in_dim3A_5 {strides = array<i32>} : memref<4096xf32, #tpu.memory_space<vmem>>, vector<16xf32>,
    %swap3A_436 = arith.constant 3376 : index
    %swap3A_437 = tpu.vector_load %arg7[%swap3A_436] {strides = array<i32>} : memref<4096xf32, #tpu.memory_space<vmem>>, vector<16xf32>,
    tpu.vector_store %arg7[%swap3A_436], %broadcast_in_dim3A_5 {strides = array<i32>} : memref<4096xf32, #tpu.memory_space<vmem>>, vector<16xf32>,
    %swap3A_438 = arith.constant 3392 : index
    %swap3A_439 = tpu.vector_load %arg7[%swap3A_438] {strides = array<i32>} : memref<4096xf32, #tpu.memory_space<vmem>>, vector<16xf32>,
    tpu.vector_store %arg7[%swap3A_438], %broadcast_in_dim3A_5 {strides = array<i32>} : memref<4096xf32, #tpu.memory_space<vmem>>, vector<16xf32>,
    %swap3A_440 = arith.constant 3408 : index
    %swap3A_441 = tpu.vector_load %arg7[%swap3A_440] {strides = array<i32>} : memref<4096xf32, #tpu.memory_space<vmem>>, vector<16xf32>,
    tpu.vector_store %arg7[%swap3A_440], %broadcast_in_dim3A_5 {strides = array<i32>} : memref<4096xf32, #tpu.memory_space<vmem>>, vector<16xf32>,
    %swap3A_442 = arith.constant 3424 : index
    %swap3A_443 = tpu.vector_load %arg7[%swap3A_442] {strides = array<i32>} : memref<4096xf32, #tpu.memory_space<vmem>>, vector<16xf32>,
    tpu.vector_store %arg7[%swap3A_442], %broadcast_in_dim3A_5 {strides = array<i32>} : memref<4096xf32, #tpu.memory_space<vmem>>, vector<16xf32>,
    %swap3A_444 = arith.constant 3440 : index
    %swap3A_445 = tpu.vector_load %arg7[%swap3A_444] {strides = array<i32>} : memref<4096xf32, #tpu.memory_space<vmem>>, vector<16xf32>,
    tpu.vector_store %arg7[%swap3A_444], %broadcast_in_dim3A_5 {strides = array<i32>} : memref<4096xf32, #tpu.memory_space<vmem>>, vector<16xf32>,
    %swap3A_446 = arith.constant 3456 : index
    %swap3A_447 = tpu.vector_load %arg7[%swap3A_446] {strides = array<i32>} : memref<4096xf32, #tpu.memory_space<vmem>>, vector<16xf32>,
    tpu.vector_store %arg7[%swap3A_446], %broadcast_in_dim3A_5 {strides = array<i32>} : memref<4096xf32, #tpu.memory_space<vmem>>, vector<16xf32>,
    %swap3A_448 = arith.constant 3472 : index
    %swap3A_449 = tpu.vector_load %arg7[%swap3A_448] {strides = array<i32>} : memref<4096xf32, #tpu.memory_space<vmem>>, vector<16xf32>,
    tpu.vector_store %arg7[%swap3A_448], %broadcast_in_dim3A_5 {strides = array<i32>} : memref<4096xf32, #tpu.memory_space<vmem>>, vector<16xf32>,
    %swap3A_450 = arith.constant 3488 : index
    %swap3A_451 = tpu.vector_load %arg7[%swap3A_450] {strides = array<i32>} : memref<4096xf32, #tpu.memory_space<vmem>>, vector<16xf32>,
    tpu.vector_store %arg7[%swap3A_450], %broadcast_in_dim3A_5 {strides = array<i32>} : memref<4096xf32, #tpu.memory_space<vmem>>, vector<16xf32>,
    %swap3A_452 = arith.constant 3504 : index
    %swap3A_453 = tpu.vector_load %arg7[%swap3A_452] {strides = array<i32>} : memref<4096xf32, #tpu.memory_space<vmem>>, vector<16xf32>,
    tpu.vector_store %arg7[%swap3A_452], %broadcast_in_dim3A_5 {strides = array<i32>} : memref<4096xf32, #tpu.memory_space<vmem>>, vector<16xf32>,
    %swap3A_454 = arith.constant 3520 : index
    %swap3A_455 = tpu.vector_load %arg7[%swap3A_454] {strides = array<i32>} : memref<4096xf32, #tpu.memory_space<vmem>>, vector<16xf32>,
    tpu.vector_store %arg7[%swap3A_454], %broadcast_in_dim3A_5 {strides = array<i32>} : memref<4096xf32, #tpu.memory_space<vmem>>, vector<16xf32>,
    %swap3A_456 = arith.constant 3536 : index
    %swap3A_457 = tpu.vector_load %arg7[%swap3A_456] {strides = array<i32>} : memref<4096xf32, #tpu.memory_space<vmem>>, vector<16xf32>,
    tpu.vector_store %arg7[%swap3A_456], %broadcast_in_dim3A_5 {strides = array<i32>} : memref<4096xf32, #tpu.memory_space<vmem>>, vector<16xf32>,
    %swap3A_458 = arith.constant 3552 : index
    %swap3A_459 = tpu.vector_load %arg7[%swap3A_458] {strides = array<i32>} : memref<4096xf32, #tpu.memory_space<vmem>>, vector<16xf32>,
    tpu.vector_store %arg7[%swap3A_458], %broadcast_in_dim3A_5 {strides = array<i32>} : memref<4096xf32, #tpu.memory_space<vmem>>, vector<16xf32>,
    %swap3A_460 = arith.constant 3568 : index
    %swap3A_461 = tpu.vector_load %arg7[%swap3A_460] {strides = array<i32>} : memref<4096xf32, #tpu.memory_space<vmem>>, vector<16xf32>,
    tpu.vector_store %arg7[%swap3A_460], %broadcast_in_dim3A_5 {strides = array<i32>} : memref<4096xf32, #tpu.memory_space<vmem>>, vector<16xf32>,
    %swap3A_462 = arith.constant 3584 : index
    %swap3A_463 = tpu.vector_load %arg7[%swap3A_462] {strides = array<i32>} : memref<4096xf32, #tpu.memory_space<vmem>>, vector<16xf32>,
    tpu.vector_store %arg7[%swap3A_462], %broadcast_in_dim3A_5 {strides = array<i32>} : memref<4096xf32, #tpu.memory_space<vmem>>, vector<16xf32>,
    %swap3A_464 = arith.constant 3600 : index
    %swap3A_465 = tpu.vector_load %arg7[%swap3A_464] {strides = array<i32>} : memref<4096xf32, #tpu.memory_space<vmem>>, vector<16xf32>,
    tpu.vector_store %arg7[%swap3A_464], %broadcast_in_dim3A_5 {strides = array<i32>} : memref<4096xf32, #tpu.memory_space<vmem>>, vector<16xf32>,
    %swap3A_466 = arith.constant 3616 : index
    %swap3A_467 = tpu.vector_load %arg7[%swap3A_466] {strides = array<i32>} : memref<4096xf32, #tpu.memory_space<vmem>>, vector<16xf32>,
    tpu.vector_store %arg7[%swap3A_466], %broadcast_in_dim3A_5 {strides = array<i32>} : memref<4096xf32, #tpu.memory_space<vmem>>, vector<16xf32>,
    %swap3A_468 = arith.constant 3632 : index
    %swap3A_469 = tpu.vector_load %arg7[%swap3A_468] {strides = array<i32>} : memref<4096xf32, #tpu.memory_space<vmem>>, vector<16xf32>,
    tpu.vector_store %arg7[%swap3A_468], %broadcast_in_dim3A_5 {strides = array<i32>} : memref<4096xf32, #tpu.memory_space<vmem>>, vector<16xf32>,
    %swap3A_470 = arith.constant 3648 : index
    %swap3A_471 = tpu.vector_load %arg7[%swap3A_470] {strides = array<i32>} : memref<4096xf32, #tpu.memory_space<vmem>>, vector<16xf32>,
    tpu.vector_store %arg7[%swap3A_470], %broadcast_in_dim3A_5 {strides = array<i32>} : memref<4096xf32, #tpu.memory_space<vmem>>, vector<16xf32>,
    %swap3A_472 = arith.constant 3664 : index
    %swap3A_473 = tpu.vector_load %arg7[%swap3A_472] {strides = array<i32>} : memref<4096xf32, #tpu.memory_space<vmem>>, vector<16xf32>,
    tpu.vector_store %arg7[%swap3A_472], %broadcast_in_dim3A_5 {strides = array<i32>} : memref<4096xf32, #tpu.memory_space<vmem>>, vector<16xf32>,
    %swap3A_474 = arith.constant 3680 : index
    %swap3A_475 = tpu.vector_load %arg7[%swap3A_474] {strides = array<i32>} : memref<4096xf32, #tpu.memory_space<vmem>>, vector<16xf32>,
    tpu.vector_store %arg7[%swap3A_474], %broadcast_in_dim3A_5 {strides = array<i32>} : memref<4096xf32, #tpu.memory_space<vmem>>, vector<16xf32>,
    %swap3A_476 = arith.constant 3696 : index
    %swap3A_477 = tpu.vector_load %arg7[%swap3A_476] {strides = array<i32>} : memref<4096xf32, #tpu.memory_space<vmem>>, vector<16xf32>,
    tpu.vector_store %arg7[%swap3A_476], %broadcast_in_dim3A_5 {strides = array<i32>} : memref<4096xf32, #tpu.memory_space<vmem>>, vector<16xf32>,
    %swap3A_478 = arith.constant 3712 : index
    %swap3A_479 = tpu.vector_load %arg7[%swap3A_478] {strides = array<i32>} : memref<4096xf32, #tpu.memory_space<vmem>>, vector<16xf32>,
    tpu.vector_store %arg7[%swap3A_478], %broadcast_in_dim3A_5 {strides = array<i32>} : memref<4096xf32, #tpu.memory_space<vmem>>, vector<16xf32>,
    %swap3A_480 = arith.constant 3728 : index
    %swap3A_481 = tpu.vector_load %arg7[%swap3A_480] {strides = array<i32>} : memref<4096xf32, #tpu.memory_space<vmem>>, vector<16xf32>,
    tpu.vector_store %arg7[%swap3A_480], %broadcast_in_dim3A_5 {strides = array<i32>} : memref<4096xf32, #tpu.memory_space<vmem>>, vector<16xf32>,
    %swap3A_482 = arith.constant 3744 : index
    %swap3A_483 = tpu.vector_load %arg7[%swap3A_482] {strides = array<i32>} : memref<4096xf32, #tpu.memory_space<vmem>>, vector<16xf32>,
    tpu.vector_store %arg7[%swap3A_482], %broadcast_in_dim3A_5 {strides = array<i32>} : memref<4096xf32, #tpu.memory_space<vmem>>, vector<16xf32>,
    %swap3A_484 = arith.constant 3760 : index
    %swap3A_485 = tpu.vector_load %arg7[%swap3A_484] {strides = array<i32>} : memref<4096xf32, #tpu.memory_space<vmem>>, vector<16xf32>,
    tpu.vector_store %arg7[%swap3A_484], %broadcast_in_dim3A_5 {strides = array<i32>} : memref<4096xf32, #tpu.memory_space<vmem>>, vector<16xf32>,
    %swap3A_486 = arith.constant 3776 : index
    %swap3A_487 = tpu.vector_load %arg7[%swap3A_486] {strides = array<i32>} : memref<4096xf32, #tpu.memory_space<vmem>>, vector<16xf32>,
    tpu.vector_store %arg7[%swap3A_486], %broadcast_in_dim3A_5 {strides = array<i32>} : memref<4096xf32, #tpu.memory_space<vmem>>, vector<16xf32>,
    %swap3A_488 = arith.constant 3792 : index
    %swap3A_489 = tpu.vector_load %arg7[%swap3A_488] {strides = array<i32>} : memref<4096xf32, #tpu.memory_space<vmem>>, vector<16xf32>,
    tpu.vector_store %arg7[%swap3A_488], %broadcast_in_dim3A_5 {strides = array<i32>} : memref<4096xf32, #tpu.memory_space<vmem>>, vector<16xf32>,
    %swap3A_490 = arith.constant 3808 : index
    %swap3A_491 = tpu.vector_load %arg7[%swap3A_490] {strides = array<i32>} : memref<4096xf32, #tpu.memory_space<vmem>>, vector<16xf32>,
    tpu.vector_store %arg7[%swap3A_490], %broadcast_in_dim3A_5 {strides = array<i32>} : memref<4096xf32, #tpu.memory_space<vmem>>, vector<16xf32>,
    %swap3A_492 = arith.constant 3824 : index
    %swap3A_493 = tpu.vector_load %arg7[%swap3A_492] {strides = array<i32>} : memref<4096xf32, #tpu.memory_space<vmem>>, vector<16xf32>,
    tpu.vector_store %arg7[%swap3A_492], %broadcast_in_dim3A_5 {strides = array<i32>} : memref<4096xf32, #tpu.memory_space<vmem>>, vector<16xf32>,
    %swap3A_494 = arith.constant 3840 : index
    %swap3A_495 = tpu.vector_load %arg7[%swap3A_494] {strides = array<i32>} : memref<4096xf32, #tpu.memory_space<vmem>>, vector<16xf32>,
    tpu.vector_store %arg7[%swap3A_494], %broadcast_in_dim3A_5 {strides = array<i32>} : memref<4096xf32, #tpu.memory_space<vmem>>, vector<16xf32>,
    %swap3A_496 = arith.constant 3856 : index
    %swap3A_497 = tpu.vector_load %arg7[%swap3A_496] {strides = array<i32>} : memref<4096xf32, #tpu.memory_space<vmem>>, vector<16xf32>,
    tpu.vector_store %arg7[%swap3A_496], %broadcast_in_dim3A_5 {strides = array<i32>} : memref<4096xf32, #tpu.memory_space<vmem>>, vector<16xf32>,
    %swap3A_498 = arith.constant 3872 : index
    %swap3A_499 = tpu.vector_load %arg7[%swap3A_498] {strides = array<i32>} : memref<4096xf32, #tpu.memory_space<vmem>>, vector<16xf32>,
    tpu.vector_store %arg7[%swap3A_498], %broadcast_in_dim3A_5 {strides = array<i32>} : memref<4096xf32, #tpu.memory_space<vmem>>, vector<16xf32>,
    %swap3A_500 = arith.constant 3888 : index
    %swap3A_501 = tpu.vector_load %arg7[%swap3A_500] {strides = array<i32>} : memref<4096xf32, #tpu.memory_space<vmem>>, vector<16xf32>,
    tpu.vector_store %arg7[%swap3A_500], %broadcast_in_dim3A_5 {strides = array<i32>} : memref<4096xf32, #tpu.memory_space<vmem>>, vector<16xf32>,
    %swap3A_502 = arith.constant 3904 : index
    %swap3A_503 = tpu.vector_load %arg7[%swap3A_502] {strides = array<i32>} : memref<4096xf32, #tpu.memory_space<vmem>>, vector<16xf32>,
    tpu.vector_store %arg7[%swap3A_502], %broadcast_in_dim3A_5 {strides = array<i32>} : memref<4096xf32, #tpu.memory_space<vmem>>, vector<16xf32>,
    %swap3A_504 = arith.constant 3920 : index
    %swap3A_505 = tpu.vector_load %arg7[%swap3A_504] {strides = array<i32>} : memref<4096xf32, #tpu.memory_space<vmem>>, vector<16xf32>,
    tpu.vector_store %arg7[%swap3A_504], %broadcast_in_dim3A_5 {strides = array<i32>} : memref<4096xf32, #tpu.memory_space<vmem>>, vector<16xf32>,
    %swap3A_506 = arith.constant 3936 : index
    %swap3A_507 = tpu.vector_load %arg7[%swap3A_506] {strides = array<i32>} : memref<4096xf32, #tpu.memory_space<vmem>>, vector<16xf32>,
    tpu.vector_store %arg7[%swap3A_506], %broadcast_in_dim3A_5 {strides = array<i32>} : memref<4096xf32, #tpu.memory_space<vmem>>, vector<16xf32>,
    %swap3A_508 = arith.constant 3952 : index
    %swap3A_509 = tpu.vector_load %arg7[%swap3A_508] {strides = array<i32>} : memref<4096xf32, #tpu.memory_space<vmem>>, vector<16xf32>,
    tpu.vector_store %arg7[%swap3A_508], %broadcast_in_dim3A_5 {strides = array<i32>} : memref<4096xf32, #tpu.memory_space<vmem>>, vector<16xf32>,
    %swap3A_510 = arith.constant 3968 : index
    %swap3A_511 = tpu.vector_load %arg7[%swap3A_510] {strides = array<i32>} : memref<4096xf32, #tpu.memory_space<vmem>>, vector<16xf32>,
    tpu.vector_store %arg7[%swap3A_510], %broadcast_in_dim3A_5 {strides = array<i32>} : memref<4096xf32, #tpu.memory_space<vmem>>, vector<16xf32>,
    %swap3A_512 = arith.constant 3984 : index
    %swap3A_513 = tpu.vector_load %arg7[%swap3A_512] {strides = array<i32>} : memref<4096xf32, #tpu.memory_space<vmem>>, vector<16xf32>,
    tpu.vector_store %arg7[%swap3A_512], %broadcast_in_dim3A_5 {strides = array<i32>} : memref<4096xf32, #tpu.memory_space<vmem>>, vector<16xf32>,
    %swap3A_514 = arith.constant 4000 : index
    %swap3A_515 = tpu.vector_load %arg7[%swap3A_514] {strides = array<i32>} : memref<4096xf32, #tpu.memory_space<vmem>>, vector<16xf32>,
    tpu.vector_store %arg7[%swap3A_514], %broadcast_in_dim3A_5 {strides = array<i32>} : memref<4096xf32, #tpu.memory_space<vmem>>, vector<16xf32>,
    %swap3A_516 = arith.constant 4016 : index
    %swap3A_517 = tpu.vector_load %arg7[%swap3A_516] {strides = array<i32>} : memref<4096xf32, #tpu.memory_space<vmem>>, vector<16xf32>,
    tpu.vector_store %arg7[%swap3A_516], %broadcast_in_dim3A_5 {strides = array<i32>} : memref<4096xf32, #tpu.memory_space<vmem>>, vector<16xf32>,
    %swap3A_518 = arith.constant 4032 : index
    %swap3A_519 = tpu.vector_load %arg7[%swap3A_518] {strides = array<i32>} : memref<4096xf32, #tpu.memory_space<vmem>>, vector<16xf32>,
    tpu.vector_store %arg7[%swap3A_518], %broadcast_in_dim3A_5 {strides = array<i32>} : memref<4096xf32, #tpu.memory_space<vmem>>, vector<16xf32>,
    %swap3A_520 = arith.constant 4048 : index
    %swap3A_521 = tpu.vector_load %arg7[%swap3A_520] {strides = array<i32>} : memref<4096xf32, #tpu.memory_space<vmem>>, vector<16xf32>,
    tpu.vector_store %arg7[%swap3A_520], %broadcast_in_dim3A_5 {strides = array<i32>} : memref<4096xf32, #tpu.memory_space<vmem>>, vector<16xf32>,
    %swap3A_522 = arith.constant 4064 : index
    %swap3A_523 = tpu.vector_load %arg7[%swap3A_522] {strides = array<i32>} : memref<4096xf32, #tpu.memory_space<vmem>>, vector<16xf32>,
    tpu.vector_store %arg7[%swap3A_522], %broadcast_in_dim3A_5 {strides = array<i32>} : memref<4096xf32, #tpu.memory_space<vmem>>, vector<16xf32>,
    %swap3A_524 = arith.constant 4080 : index
    %swap3A_525 = tpu.vector_load %arg7[%swap3A_524] {strides = array<i32>} : memref<4096xf32, #tpu.memory_space<vmem>>, vector<16xf32>,
    tpu.vector_store %arg7[%swap3A_524], %broadcast_in_dim3A_5 {strides = array<i32>} : memref<4096xf32, #tpu.memory_space<vmem>>, vector<16xf32>,
    %add3A_526 = arith.constant 0 : i32
    %add3A_527 = arith.addi %mul3A_2, %add3A_526 : i32
    %multiple_of3A = tpu.assume_multiple %add3A_527, 8 : i32
    %dma_start3A = tpu.memref_slice %arg2[%multiple_of3A] : memref<2097152xi32, #tpu.memory_space<hbm>> -> memref<16384xi32, #tpu.memory_space<hbm>>
    %dma_start3A_528 = tpu.memref_slice %arg2[%multiple_of3A] : memref<2097152xi32, #tpu.memory_space<hbm>> -> memref<16384xi32, #tpu.memory_space<hbm>>
    tpu.enqueue_dma source(%dma_start3A_528 : memref<16384xi32, #tpu.memory_space<hbm>>) target(%arg5 : memref<16384xi32, #tpu.memory_space<vmem>>) target_semaphore(%arg8 : memref<!tpu.dma_semaphore, #tpu.memory_space<semaphore_mem>>)
    %dma_wait3A = tpu.memref_slice %arg2[%multiple_of3A] : memref<2097152xi32, #tpu.memory_space<hbm>> -> memref<16384xi32, #tpu.memory_space<hbm>>
    %dma_wait3A_529 = tpu.memref_slice %arg2[%multiple_of3A] : memref<2097152xi32, #tpu.memory_space<hbm>> -> memref<16384xi32, #tpu.memory_space<hbm>>
    tpu.wait_dma2 semaphore(%arg8 : memref<!tpu.dma_semaphore, #tpu.memory_space<semaphore_mem>>) src(%dma_wait3A_529 : memref<16384xi32, #tpu.memory_space<hbm>>) dst(%arg5 : memref<16384xi32, #tpu.memory_space<vmem>>)
    %add3A_530 = arith.constant 16384 : i32
    %add3A_531 = arith.addi %mul3A_2, %add3A_530 : i32
    %multiple_of3A_532 = tpu.assume_multiple %add3A_531, 8 : i32
    %dma_start3A_533 = tpu.memref_slice %arg2[%multiple_of3A_532] : memref<2097152xi32, #tpu.memory_space<hbm>> -> memref<16384xi32, #tpu.memory_space<hbm>>
    %dma_start3A_534 = tpu.memref_slice %arg2[%multiple_of3A_532] : memref<2097152xi32, #tpu.memory_space<hbm>> -> memref<16384xi32, #tpu.memory_space<hbm>>
    tpu.enqueue_dma source(%dma_start3A_534 : memref<16384xi32, #tpu.memory_space<hbm>>) target(%arg6 : memref<16384xi32, #tpu.memory_space<vmem>>) target_semaphore(%arg9 : memref<!tpu.dma_semaphore, #tpu.memory_space<semaphore_mem>>)
    %parallel_loop3A = arith.constant 0 : i32
    %parallel_loop3A_535 = arith.constant 1024 : i32
    %parallel_loop3A_536 = arith.constant 1 : i32
    scf.for %parallel_loop3A_602 = %parallel_loop3A to %parallel_loop3A_535 step %parallel_loop3A_536  : i32 {
      %parallel_loop3A_603 = arith.constant 16 : i32
      %parallel_loop3A_604 = arith.muli %parallel_loop3A_602, %parallel_loop3A_603 : i32
      %parallel_loop3A_605 = arith.index_cast %parallel_loop3A_604 : i32 to index
      %parallel_loop3A_606 = tpu.vector_load %arg5[%parallel_loop3A_605] {strides = array<i32>} : memref<16384xi32, #tpu.memory_space<vmem>>, vector<16xi32>,
      %parallel_loop3A_607 = arith.addi %mul3A_8, %parallel_loop3A_606 : vector<16xi32>
      tpu.vector_store_idx %arg7[%parallel_loop3A_607], %broadcast_in_dim3A_3 {add = true} : memref<4096xf32, #tpu.memory_space<vmem>>[vector<16xi32>], vector<16xf32>,
    } {sc.loop_unroll_factor = 8 : i64, sc.parallel_access}
    %dma_wait3A_537 = tpu.memref_slice %arg2[%multiple_of3A_532] : memref<2097152xi32, #tpu.memory_space<hbm>> -> memref<16384xi32, #tpu.memory_space<hbm>>
    %dma_wait3A_538 = tpu.memref_slice %arg2[%multiple_of3A_532] : memref<2097152xi32, #tpu.memory_space<hbm>> -> memref<16384xi32, #tpu.memory_space<hbm>>
    tpu.wait_dma2 semaphore(%arg9 : memref<!tpu.dma_semaphore, #tpu.memory_space<semaphore_mem>>) src(%dma_wait3A_538 : memref<16384xi32, #tpu.memory_space<hbm>>) dst(%arg6 : memref<16384xi32, #tpu.memory_space<vmem>>)
    %add3A_539 = arith.constant 32768 : i32
    %add3A_540 = arith.addi %mul3A_2, %add3A_539 : i32
    %multiple_of3A_541 = tpu.assume_multiple %add3A_540, 8 : i32
    %dma_start3A_542 = tpu.memref_slice %arg2[%multiple_of3A_541] : memref<2097152xi32, #tpu.memory_space<hbm>> -> memref<16384xi32, #tpu.memory_space<hbm>>
    %dma_start3A_543 = tpu.memref_slice %arg2[%multiple_of3A_541] : memref<2097152xi32, #tpu.memory_space<hbm>> -> memref<16384xi32, #tpu.memory_space<hbm>>
    tpu.enqueue_dma source(%dma_start3A_543 : memref<16384xi32, #tpu.memory_space<hbm>>) target(%arg5 : memref<16384xi32, #tpu.memory_space<vmem>>) target_semaphore(%arg8 : memref<!tpu.dma_semaphore, #tpu.memory_space<semaphore_mem>>)
    %parallel_loop3A_544 = arith.constant 0 : i32
    %parallel_loop3A_545 = arith.constant 1024 : i32
    %parallel_loop3A_546 = arith.constant 1 : i32
    scf.for %parallel_loop3A_602 = %parallel_loop3A_544 to %parallel_loop3A_545 step %parallel_loop3A_546  : i32 {
      %parallel_loop3A_603 = arith.constant 16 : i32
      %parallel_loop3A_604 = arith.muli %parallel_loop3A_602, %parallel_loop3A_603 : i32
      %parallel_loop3A_605 = arith.index_cast %parallel_loop3A_604 : i32 to index
      %parallel_loop3A_606 = tpu.vector_load %arg6[%parallel_loop3A_605] {strides = array<i32>} : memref<16384xi32, #tpu.memory_space<vmem>>, vector<16xi32>,
      %parallel_loop3A_607 = arith.addi %mul3A_8, %parallel_loop3A_606 : vector<16xi32>
      tpu.vector_store_idx %arg7[%parallel_loop3A_607], %broadcast_in_dim3A_3 {add = true} : memref<4096xf32, #tpu.memory_space<vmem>>[vector<16xi32>], vector<16xf32>,
    } {sc.loop_unroll_factor = 8 : i64, sc.parallel_access}
    %dma_wait3A_547 = tpu.memref_slice %arg2[%multiple_of3A_541] : memref<2097152xi32, #tpu.memory_space<hbm>> -> memref<16384xi32, #tpu.memory_space<hbm>>
    %dma_wait3A_548 = tpu.memref_slice %arg2[%multiple_of3A_541] : memref<2097152xi32, #tpu.memory_space<hbm>> -> memref<16384xi32, #tpu.memory_space<hbm>>
    tpu.wait_dma2 semaphore(%arg8 : memref<!tpu.dma_semaphore, #tpu.memory_space<semaphore_mem>>) src(%dma_wait3A_548 : memref<16384xi32, #tpu.memory_space<hbm>>) dst(%arg5 : memref<16384xi32, #tpu.memory_space<vmem>>)
    %add3A_549 = arith.constant 49152 : i32
    %add3A_550 = arith.addi %mul3A_2, %add3A_549 : i32
    %multiple_of3A_551 = tpu.assume_multiple %add3A_550, 8 : i32
    %dma_start3A_552 = tpu.memref_slice %arg2[%multiple_of3A_551] : memref<2097152xi32, #tpu.memory_space<hbm>> -> memref<16384xi32, #tpu.memory_space<hbm>>
    %dma_start3A_553 = tpu.memref_slice %arg2[%multiple_of3A_551] : memref<2097152xi32, #tpu.memory_space<hbm>> -> memref<16384xi32, #tpu.memory_space<hbm>>
    tpu.enqueue_dma source(%dma_start3A_553 : memref<16384xi32, #tpu.memory_space<hbm>>) target(%arg6 : memref<16384xi32, #tpu.memory_space<vmem>>) target_semaphore(%arg9 : memref<!tpu.dma_semaphore, #tpu.memory_space<semaphore_mem>>)
    %parallel_loop3A_554 = arith.constant 0 : i32
    %parallel_loop3A_555 = arith.constant 1024 : i32
    %parallel_loop3A_556 = arith.constant 1 : i32
    scf.for %parallel_loop3A_602 = %parallel_loop3A_554 to %parallel_loop3A_555 step %parallel_loop3A_556  : i32 {
      %parallel_loop3A_603 = arith.constant 16 : i32
      %parallel_loop3A_604 = arith.muli %parallel_loop3A_602, %parallel_loop3A_603 : i32
      %parallel_loop3A_605 = arith.index_cast %parallel_loop3A_604 : i32 to index
      %parallel_loop3A_606 = tpu.vector_load %arg5[%parallel_loop3A_605] {strides = array<i32>} : memref<16384xi32, #tpu.memory_space<vmem>>, vector<16xi32>,
      %parallel_loop3A_607 = arith.addi %mul3A_8, %parallel_loop3A_606 : vector<16xi32>
      tpu.vector_store_idx %arg7[%parallel_loop3A_607], %broadcast_in_dim3A_3 {add = true} : memref<4096xf32, #tpu.memory_space<vmem>>[vector<16xi32>], vector<16xf32>,
    } {sc.loop_unroll_factor = 8 : i64, sc.parallel_access}
    %dma_wait3A_557 = tpu.memref_slice %arg2[%multiple_of3A_551] : memref<2097152xi32, #tpu.memory_space<hbm>> -> memref<16384xi32, #tpu.memory_space<hbm>>
    %dma_wait3A_558 = tpu.memref_slice %arg2[%multiple_of3A_551] : memref<2097152xi32, #tpu.memory_space<hbm>> -> memref<16384xi32, #tpu.memory_space<hbm>>
    tpu.wait_dma2 semaphore(%arg9 : memref<!tpu.dma_semaphore, #tpu.memory_space<semaphore_mem>>) src(%dma_wait3A_558 : memref<16384xi32, #tpu.memory_space<hbm>>) dst(%arg6 : memref<16384xi32, #tpu.memory_space<vmem>>)
    %add3A_559 = arith.constant 0 : i32
    %add3A_560 = arith.addi %mul3A_2, %add3A_559 : i32
    %multiple_of3A_561 = tpu.assume_multiple %add3A_560, 8 : i32
    %dma_start3A_562 = tpu.memref_slice %arg3[%multiple_of3A_561] : memref<2097152xi32, #tpu.memory_space<hbm>> -> memref<16384xi32, #tpu.memory_space<hbm>>
    %dma_start3A_563 = tpu.memref_slice %arg3[%multiple_of3A_561] : memref<2097152xi32, #tpu.memory_space<hbm>> -> memref<16384xi32, #tpu.memory_space<hbm>>
    tpu.enqueue_dma source(%dma_start3A_563 : memref<16384xi32, #tpu.memory_space<hbm>>) target(%arg5 : memref<16384xi32, #tpu.memory_space<vmem>>) target_semaphore(%arg8 : memref<!tpu.dma_semaphore, #tpu.memory_space<semaphore_mem>>)
    %parallel_loop3A_564 = arith.constant 0 : i32
    %parallel_loop3A_565 = arith.constant 1024 : i32
    %parallel_loop3A_566 = arith.constant 1 : i32
    scf.for %parallel_loop3A_602 = %parallel_loop3A_564 to %parallel_loop3A_565 step %parallel_loop3A_566  : i32 {
      %parallel_loop3A_603 = arith.constant 16 : i32
      %parallel_loop3A_604 = arith.muli %parallel_loop3A_602, %parallel_loop3A_603 : i32
      %parallel_loop3A_605 = arith.index_cast %parallel_loop3A_604 : i32 to index
      %parallel_loop3A_606 = tpu.vector_load %arg6[%parallel_loop3A_605] {strides = array<i32>} : memref<16384xi32, #tpu.memory_space<vmem>>, vector<16xi32>,
      %parallel_loop3A_607 = arith.addi %mul3A_8, %parallel_loop3A_606 : vector<16xi32>
      tpu.vector_store_idx %arg7[%parallel_loop3A_607], %broadcast_in_dim3A_3 {add = true} : memref<4096xf32, #tpu.memory_space<vmem>>[vector<16xi32>], vector<16xf32>,
    } {sc.loop_unroll_factor = 8 : i64, sc.parallel_access}
    %dma_wait3A_567 = tpu.memref_slice %arg3[%multiple_of3A_561] : memref<2097152xi32, #tpu.memory_space<hbm>> -> memref<16384xi32, #tpu.memory_space<hbm>>
    %dma_wait3A_568 = tpu.memref_slice %arg3[%multiple_of3A_561] : memref<2097152xi32, #tpu.memory_space<hbm>> -> memref<16384xi32, #tpu.memory_space<hbm>>
    tpu.wait_dma2 semaphore(%arg8 : memref<!tpu.dma_semaphore, #tpu.memory_space<semaphore_mem>>) src(%dma_wait3A_568 : memref<16384xi32, #tpu.memory_space<hbm>>) dst(%arg5 : memref<16384xi32, #tpu.memory_space<vmem>>)
    %add3A_569 = arith.constant 16384 : i32
    %add3A_570 = arith.addi %mul3A_2, %add3A_569 : i32
    %multiple_of3A_571 = tpu.assume_multiple %add3A_570, 8 : i32
    %dma_start3A_572 = tpu.memref_slice %arg3[%multiple_of3A_571] : memref<2097152xi32, #tpu.memory_space<hbm>> -> memref<16384xi32, #tpu.memory_space<hbm>>
    %dma_start3A_573 = tpu.memref_slice %arg3[%multiple_of3A_571] : memref<2097152xi32, #tpu.memory_space<hbm>> -> memref<16384xi32, #tpu.memory_space<hbm>>
    tpu.enqueue_dma source(%dma_start3A_573 : memref<16384xi32, #tpu.memory_space<hbm>>) target(%arg6 : memref<16384xi32, #tpu.memory_space<vmem>>) target_semaphore(%arg9 : memref<!tpu.dma_semaphore, #tpu.memory_space<semaphore_mem>>)
    %parallel_loop3A_574 = arith.constant 0 : i32
    %parallel_loop3A_575 = arith.constant 1024 : i32
    %parallel_loop3A_576 = arith.constant 1 : i32
    scf.for %parallel_loop3A_602 = %parallel_loop3A_574 to %parallel_loop3A_575 step %parallel_loop3A_576  : i32 {
      %parallel_loop3A_603 = arith.constant 16 : i32
      %parallel_loop3A_604 = arith.muli %parallel_loop3A_602, %parallel_loop3A_603 : i32
      %parallel_loop3A_605 = arith.index_cast %parallel_loop3A_604 : i32 to index
      %parallel_loop3A_606 = tpu.vector_load %arg5[%parallel_loop3A_605] {strides = array<i32>} : memref<16384xi32, #tpu.memory_space<vmem>>, vector<16xi32>,
      %parallel_loop3A_607 = arith.addi %add3A_14, %parallel_loop3A_606 : vector<16xi32>
      tpu.vector_store_idx %arg7[%parallel_loop3A_607], %broadcast_in_dim3A_3 {add = true} : memref<4096xf32, #tpu.memory_space<vmem>>[vector<16xi32>], vector<16xf32>,
    } {sc.loop_unroll_factor = 8 : i64, sc.parallel_access}
    %dma_wait3A_577 = tpu.memref_slice %arg3[%multiple_of3A_571] : memref<2097152xi32, #tpu.memory_space<hbm>> -> memref<16384xi32, #tpu.memory_space<hbm>>
    %dma_wait3A_578 = tpu.memref_slice %arg3[%multiple_of3A_571] : memref<2097152xi32, #tpu.memory_space<hbm>> -> memref<16384xi32, #tpu.memory_space<hbm>>
    tpu.wait_dma2 semaphore(%arg9 : memref<!tpu.dma_semaphore, #tpu.memory_space<semaphore_mem>>) src(%dma_wait3A_578 : memref<16384xi32, #tpu.memory_space<hbm>>) dst(%arg6 : memref<16384xi32, #tpu.memory_space<vmem>>)
    %add3A_579 = arith.constant 32768 : i32
    %add3A_580 = arith.addi %mul3A_2, %add3A_579 : i32
    %multiple_of3A_581 = tpu.assume_multiple %add3A_580, 8 : i32
    %dma_start3A_582 = tpu.memref_slice %arg3[%multiple_of3A_581] : memref<2097152xi32, #tpu.memory_space<hbm>> -> memref<16384xi32, #tpu.memory_space<hbm>>
    %dma_start3A_583 = tpu.memref_slice %arg3[%multiple_of3A_581] : memref<2097152xi32, #tpu.memory_space<hbm>> -> memref<16384xi32, #tpu.memory_space<hbm>>
    tpu.enqueue_dma source(%dma_start3A_583 : memref<16384xi32, #tpu.memory_space<hbm>>) target(%arg5 : memref<16384xi32, #tpu.memory_space<vmem>>) target_semaphore(%arg8 : memref<!tpu.dma_semaphore, #tpu.memory_space<semaphore_mem>>)
    %parallel_loop3A_584 = arith.constant 0 : i32
    %parallel_loop3A_585 = arith.constant 1024 : i32
    %parallel_loop3A_586 = arith.constant 1 : i32
    scf.for %parallel_loop3A_602 = %parallel_loop3A_584 to %parallel_loop3A_585 step %parallel_loop3A_586  : i32 {
      %parallel_loop3A_603 = arith.constant 16 : i32
      %parallel_loop3A_604 = arith.muli %parallel_loop3A_602, %parallel_loop3A_603 : i32
      %parallel_loop3A_605 = arith.index_cast %parallel_loop3A_604 : i32 to index
      %parallel_loop3A_606 = tpu.vector_load %arg6[%parallel_loop3A_605] {strides = array<i32>} : memref<16384xi32, #tpu.memory_space<vmem>>, vector<16xi32>,
      %parallel_loop3A_607 = arith.addi %add3A_14, %parallel_loop3A_606 : vector<16xi32>
      tpu.vector_store_idx %arg7[%parallel_loop3A_607], %broadcast_in_dim3A_3 {add = true} : memref<4096xf32, #tpu.memory_space<vmem>>[vector<16xi32>], vector<16xf32>,
    } {sc.loop_unroll_factor = 8 : i64, sc.parallel_access}
    %dma_wait3A_587 = tpu.memref_slice %arg3[%multiple_of3A_581] : memref<2097152xi32, #tpu.memory_space<hbm>> -> memref<16384xi32, #tpu.memory_space<hbm>>
    %dma_wait3A_588 = tpu.memref_slice %arg3[%multiple_of3A_581] : memref<2097152xi32, #tpu.memory_space<hbm>> -> memref<16384xi32, #tpu.memory_space<hbm>>
    tpu.wait_dma2 semaphore(%arg8 : memref<!tpu.dma_semaphore, #tpu.memory_space<semaphore_mem>>) src(%dma_wait3A_588 : memref<16384xi32, #tpu.memory_space<hbm>>) dst(%arg5 : memref<16384xi32, #tpu.memory_space<vmem>>)
    %add3A_589 = arith.constant 49152 : i32
    %add3A_590 = arith.addi %mul3A_2, %add3A_589 : i32
    %multiple_of3A_591 = tpu.assume_multiple %add3A_590, 8 : i32
    %dma_start3A_592 = tpu.memref_slice %arg3[%multiple_of3A_591] : memref<2097152xi32, #tpu.memory_space<hbm>> -> memref<16384xi32, #tpu.memory_space<hbm>>
    %dma_start3A_593 = tpu.memref_slice %arg3[%multiple_of3A_591] : memref<2097152xi32, #tpu.memory_space<hbm>> -> memref<16384xi32, #tpu.memory_space<hbm>>
    tpu.enqueue_dma source(%dma_start3A_593 : memref<16384xi32, #tpu.memory_space<hbm>>) target(%arg6 : memref<16384xi32, #tpu.memory_space<vmem>>) target_semaphore(%arg9 : memref<!tpu.dma_semaphore, #tpu.memory_space<semaphore_mem>>)
    %parallel_loop3A_594 = arith.constant 0 : i32
    %parallel_loop3A_595 = arith.constant 1024 : i32
    %parallel_loop3A_596 = arith.constant 1 : i32
    scf.for %parallel_loop3A_602 = %parallel_loop3A_594 to %parallel_loop3A_595 step %parallel_loop3A_596  : i32 {
      %parallel_loop3A_603 = arith.constant 16 : i32
      %parallel_loop3A_604 = arith.muli %parallel_loop3A_602, %parallel_loop3A_603 : i32
      %parallel_loop3A_605 = arith.index_cast %parallel_loop3A_604 : i32 to index
      %parallel_loop3A_606 = tpu.vector_load %arg5[%parallel_loop3A_605] {strides = array<i32>} : memref<16384xi32, #tpu.memory_space<vmem>>, vector<16xi32>,
      %parallel_loop3A_607 = arith.addi %add3A_14, %parallel_loop3A_606 : vector<16xi32>
      tpu.vector_store_idx %arg7[%parallel_loop3A_607], %broadcast_in_dim3A_3 {add = true} : memref<4096xf32, #tpu.memory_space<vmem>>[vector<16xi32>], vector<16xf32>,
    } {sc.loop_unroll_factor = 8 : i64, sc.parallel_access}
    %dma_wait3A_597 = tpu.memref_slice %arg3[%multiple_of3A_591] : memref<2097152xi32, #tpu.memory_space<hbm>> -> memref<16384xi32, #tpu.memory_space<hbm>>
    %dma_wait3A_598 = tpu.memref_slice %arg3[%multiple_of3A_591] : memref<2097152xi32, #tpu.memory_space<hbm>> -> memref<16384xi32, #tpu.memory_space<hbm>>
    tpu.wait_dma2 semaphore(%arg9 : memref<!tpu.dma_semaphore, #tpu.memory_space<semaphore_mem>>) src(%dma_wait3A_598 : memref<16384xi32, #tpu.memory_space<hbm>>) dst(%arg6 : memref<16384xi32, #tpu.memory_space<vmem>>)
    %parallel_loop3A_599 = arith.constant 0 : i32
    %parallel_loop3A_600 = arith.constant 1024 : i32
    %parallel_loop3A_601 = arith.constant 1 : i32
    scf.for %parallel_loop3A_602 = %parallel_loop3A_599 to %parallel_loop3A_600 step %parallel_loop3A_601  : i32 {
      %parallel_loop3A_603 = arith.constant 16 : i32
      %parallel_loop3A_604 = arith.muli %parallel_loop3A_602, %parallel_loop3A_603 : i32
      %parallel_loop3A_605 = arith.index_cast %parallel_loop3A_604 : i32 to index
      %parallel_loop3A_606 = tpu.vector_load %arg6[%parallel_loop3A_605] {strides = array<i32>} : memref<16384xi32, #tpu.memory_space<vmem>>, vector<16xi32>,
      %parallel_loop3A_607 = arith.addi %add3A_14, %parallel_loop3A_606 : vector<16xi32>
      tpu.vector_store_idx %arg7[%parallel_loop3A_607], %broadcast_in_dim3A_3 {add = true} : memref<4096xf32, #tpu.memory_space<vmem>>[vector<16xi32>], vector<16xf32>,
    } {sc.loop_unroll_factor = 8 : i64, sc.parallel_access}
    "tpu.region"() ({
      %run_scoped3A = tpu.sem_alloc : memref<!tpu.dma_semaphore, #tpu.memory_space<semaphore_mem>>
      %dma_start3A_602 = arith.constant 0 : i32
      %dma_start3A_603 = tpu.memref_slice %arg4[%add3A, %dma_start3A_602] : memref<32x4096xf32, #tpu.memory_space<hbm>> -> memref<1x4096xf32, #tpu.memory_space<hbm>>
      %dma_start3A_604 = tpu.memref_squeeze %dma_start3A_603 : memref<1x4096xf32, #tpu.memory_space<hbm>> -> memref<4096xf32, #tpu.memory_space<hbm>>
      %dma_start3A_605 = arith.constant 0 : i32
      %dma_start3A_606 = tpu.memref_slice %arg4[%add3A, %dma_start3A_605] : memref<32x4096xf32, #tpu.memory_space<hbm>> -> memref<1x4096xf32, #tpu.memory_space<hbm>>
      %dma_start3A_607 = tpu.memref_squeeze %dma_start3A_606 : memref<1x4096xf32, #tpu.memory_space<hbm>> -> memref<4096xf32, #tpu.memory_space<hbm>>
      tpu.enqueue_dma source(%arg7 : memref<4096xf32, #tpu.memory_space<vmem>>) target(%dma_start3A_607 : memref<4096xf32, #tpu.memory_space<hbm>>) target_semaphore(%run_scoped3A : memref<!tpu.dma_semaphore, #tpu.memory_space<semaphore_mem>>)
      %dma_wait3A_608 = arith.constant 0 : i32
      %dma_wait3A_609 = tpu.memref_slice %arg4[%add3A, %dma_wait3A_608] : memref<32x4096xf32, #tpu.memory_space<hbm>> -> memref<1x4096xf32, #tpu.memory_space<hbm>>
      %dma_wait3A_610 = tpu.memref_squeeze %dma_wait3A_609 : memref<1x4096xf32, #tpu.memory_space<hbm>> -> memref<4096xf32, #tpu.memory_space<hbm>>
      %dma_wait3A_611 = arith.constant 0 : i32
      %dma_wait3A_612 = tpu.memref_slice %arg4[%add3A, %dma_wait3A_611] : memref<32x4096xf32, #tpu.memory_space<hbm>> -> memref<1x4096xf32, #tpu.memory_space<hbm>>
      %dma_wait3A_613 = tpu.memref_squeeze %dma_wait3A_612 : memref<1x4096xf32, #tpu.memory_space<hbm>> -> memref<4096xf32, #tpu.memory_space<hbm>>
      tpu.wait_dma2 semaphore(%run_scoped3A : memref<!tpu.dma_semaphore, #tpu.memory_space<semaphore_mem>>) src(%arg7 : memref<4096xf32, #tpu.memory_space<vmem>>) dst(%dma_wait3A_613 : memref<4096xf32, #tpu.memory_space<hbm>>)
      tpu.yield
    }) : () -> ()
    return
  }
}

module attributes {stable_mosaic.version = 14 : i64} {
  func.func @_idx_body(%arg0: i32, %arg1: memref<2x131072xf32, #tpu.memory_space<vmem>>, %arg2: memref<8x131072xf32, #tpu.memory_space<vmem>>, %arg3: memref<1x1x131072xf32, #tpu.memory_space<vmem>>, %arg4: memref<131072xi32, #tpu.memory_space<vmem>>, %arg5: memref<131072xi32, #tpu.memory_space<vmem>>) attributes {dimension_semantics = [#tpu.dimension_semantics<arbitrary>], iteration_bounds = array<i64: 16>, scalar_prefetch = 0 : i64, scratch_operands = 0 : i64, tpu.core_type = #tpu.core_type<tc>, window_params = [{transform_indices = @transform_0, window_bounds = array<i64: 2, 131072>}, {transform_indices = @transform_1, window_bounds = array<i64: 8, 131072>}, {transform_indices = @transform_2, window_bounds = array<i64: 1, 1, 131072>}, {transform_indices = @transform_3, window_bounds = array<i64: 131072>}, {transform_indices = @transform_4, window_bounds = array<i64: 131072>}]} {
    %get3A = arith.constant 0 : index
    %get3A_0 = arith.constant 0 : index
    %get3A_1 = vector.load %arg1[%get3A, %get3A_0] : memref<2x131072xf32, #tpu.memory_space<vmem>>, vector<1x131072xf32>
    %get3A_2 = vector.shape_cast %get3A_1 : vector<1x131072xf32> to vector<131072xf32>
    %get3A_3 = arith.constant 1 : index
    %get3A_4 = arith.constant 0 : index
    %get3A_5 = vector.load %arg1[%get3A_3, %get3A_4] : memref<2x131072xf32, #tpu.memory_space<vmem>>, vector<1x131072xf32>
    %get3A_6 = vector.shape_cast %get3A_5 : vector<1x131072xf32> to vector<131072xf32>
    %get3A_7 = arith.constant 0 : index
    %get3A_8 = arith.constant 0 : index
    %get3A_9 = vector.load %arg2[%get3A_7, %get3A_8] : memref<8x131072xf32, #tpu.memory_space<vmem>>, vector<1x131072xf32>
    %get3A_10 = vector.shape_cast %get3A_9 : vector<1x131072xf32> to vector<131072xf32>
    %get3A_11 = arith.constant 1 : index
    %get3A_12 = arith.constant 0 : index
    %get3A_13 = vector.load %arg2[%get3A_11, %get3A_12] : memref<8x131072xf32, #tpu.memory_space<vmem>>, vector<1x131072xf32>
    %get3A_14 = vector.shape_cast %get3A_13 : vector<1x131072xf32> to vector<131072xf32>
    %get3A_15 = arith.constant 4 : index
    %get3A_16 = arith.constant 0 : index
    %get3A_17 = vector.load %arg2[%get3A_15, %get3A_16] : memref<8x131072xf32, #tpu.memory_space<vmem>>, vector<1x131072xf32>
    %get3A_18 = vector.shape_cast %get3A_17 : vector<1x131072xf32> to vector<131072xf32>
    %get3A_19 = arith.constant 5 : index
    %get3A_20 = arith.constant 0 : index
    %get3A_21 = vector.load %arg2[%get3A_19, %get3A_20] : memref<8x131072xf32, #tpu.memory_space<vmem>>, vector<1x131072xf32>
    %get3A_22 = vector.shape_cast %get3A_21 : vector<1x131072xf32> to vector<131072xf32>
    %get3A_23 = arith.constant 6 : index
    %get3A_24 = arith.constant 0 : index
    %get3A_25 = vector.load %arg2[%get3A_23, %get3A_24] : memref<8x131072xf32, #tpu.memory_space<vmem>>, vector<1x131072xf32>
    %get3A_26 = vector.shape_cast %get3A_25 : vector<1x131072xf32> to vector<131072xf32>
    %get3A_27 = arith.constant 7 : index
    %get3A_28 = arith.constant 0 : index
    %get3A_29 = vector.load %arg2[%get3A_27, %get3A_28] : memref<8x131072xf32, #tpu.memory_space<vmem>>, vector<1x131072xf32>
    %get3A_30 = vector.shape_cast %get3A_29 : vector<1x131072xf32> to vector<131072xf32>
    %get3A_31 = arith.constant 0 : index
    %get3A_32 = arith.constant 0 : index
    %get3A_33 = arith.constant 0 : index
    %get3A_34 = vector.load %arg3[%get3A_31, %get3A_32, %get3A_33] : memref<1x1x131072xf32, #tpu.memory_space<vmem>>, vector<1x1x131072xf32>
    %get3A_35 = vector.shape_cast %get3A_34 : vector<1x1x131072xf32> to vector<131072xf32>
    %mul3A = arith.mulf %get3A_2, %get3A_6 : vector<131072xf32>
    %mul3A_36 = arith.mulf %get3A_10, %get3A_14 : vector<131072xf32>
    %mul3A_37 = arith.mulf %mul3A, %mul3A_36 : vector<131072xf32>
    %sub3A = arith.subf %get3A_26, %get3A_30 : vector<131072xf32>
    %exp3A = math.exp %sub3A : vector<131072xf32>
    %neg3A = arith.constant 0.000000e+00 : f32
    %neg3A_38 = vector.broadcast %neg3A : f32 to vector<131072xf32>
    %neg3A_39 = arith.subf %neg3A_38, %sub3A : vector<131072xf32>
    %exp3A_40 = math.exp %neg3A_39 : vector<131072xf32>
    %add3A = arith.addf %exp3A, %exp3A_40 : vector<131072xf32>
    %mul3A_41 = arith.constant 5.000000e-01 : f32
    %mul3A_42 = vector.broadcast %mul3A_41 : f32 to vector<131072xf32>
    %mul3A_43 = arith.mulf %mul3A_42, %add3A : vector<131072xf32>
    %mul3A_44 = arith.constant 2.000000e+00 : f32
    %mul3A_45 = vector.broadcast %mul3A_44 : f32 to vector<131072xf32>
    %mul3A_46 = arith.mulf %mul3A_45, %mul3A_37 : vector<131072xf32>
    %sub3A_47 = arith.subf %get3A_18, %get3A_22 : vector<131072xf32>
    %cos3A = math.cos %sub3A_47 : vector<131072xf32>
    %sub3A_48 = arith.subf %mul3A_43, %cos3A : vector<131072xf32>
    %mul3A_49 = arith.mulf %mul3A_46, %sub3A_48 : vector<131072xf32>
    %max3A = arith.constant 0.000000e+00 : f32
    %max3A_50 = vector.broadcast %max3A : f32 to vector<131072xf32>
    %max3A_51 = arith.maximumf %mul3A_49, %max3A_50 : vector<131072xf32>
    %sqrt3A = math.sqrt %max3A_51 : vector<131072xf32>
    %iota3A = tpu.iota {dimensions = array<i32: 1>} : vector<1x131072xi32>
    %iota3A_52 = vector.shape_cast %iota3A : vector<1x131072xi32> to vector<131072xi32>
    %mul3A_53 = arith.constant 131072 : i32
    %mul3A_54 = arith.muli %arg0, %mul3A_53 : i32
    %add3A_55 = vector.broadcast %mul3A_54 : i32 to vector<131072xi32>
    %add3A_56 = arith.addi %iota3A_52, %add3A_55 : vector<131072xi32>
    %lt3A = arith.constant 2000000 : i32
    %lt3A_57 = vector.broadcast %lt3A : i32 to vector<131072xi32>
    %lt3A_58 = arith.cmpi slt, %add3A_56, %lt3A_57 : vector<131072xi32>
    %sub3A_59 = arith.constant 6.000000e+01 : f32
    %sub3A_60 = vector.broadcast %sub3A_59 : f32 to vector<131072xf32>
    %sub3A_61 = arith.subf %sqrt3A, %sub3A_60 : vector<131072xf32>
    %mul3A_62 = arith.constant 1.000000e+02 : f32
    %mul3A_63 = vector.broadcast %mul3A_62 : f32 to vector<131072xf32>
    %mul3A_64 = arith.mulf %sub3A_61, %mul3A_63 : vector<131072xf32>
    %div3A = arith.constant 6.000000e+01 : f32
    %div3A_65 = vector.broadcast %div3A : f32 to vector<131072xf32>
    %div3A_66 = arith.divf %mul3A_64, %div3A_65 : vector<131072xf32>
    %floor3A = math.floor %div3A_66 : vector<131072xf32>
    %convert_element_type3A = arith.fptosi %floor3A : vector<131072xf32> to vector<131072xi32>
    %jit3A = arith.constant 0 : i32
    %jit3A_67 = arith.constant 99 : i32
    %max3A_68 = vector.broadcast %jit3A : i32 to vector<131072xi32>
    %max3A_69 = arith.maxsi %max3A_68, %convert_element_type3A : vector<131072xi32>
    %min3A = vector.broadcast %jit3A_67 : i32 to vector<131072xi32>
    %min3A_70 = arith.minsi %min3A, %max3A_69 : vector<131072xi32>
    %ge3A = arith.constant 6.000000e+01 : f32
    %ge3A_71 = vector.broadcast %ge3A : f32 to vector<131072xf32>
    %ge3A_72 = arith.cmpf oge, %sqrt3A, %ge3A_71 : vector<131072xf32>
    %le3A = arith.constant 1.200000e+02 : f32
    %le3A_73 = vector.broadcast %le3A : f32 to vector<131072xf32>
    %le3A_74 = arith.cmpf ole, %sqrt3A, %le3A_73 : vector<131072xf32>
    %and3A = arith.andi %ge3A_72, %le3A_74 : vector<131072xi1>
    %jit3A_75 = arith.constant 100 : i32
    %broadcast_in_dim3A = vector.broadcast %jit3A_75 : i32 to vector<131072xi32>
    %select_n3A = arith.select %and3A, %min3A_70, %broadcast_in_dim3A : vector<131072xi1>, vector<131072xi32>
    %jit3A_76 = arith.constant 100 : i32
    %broadcast_in_dim3A_77 = vector.broadcast %jit3A_76 : i32 to vector<131072xi32>
    %select_n3A_78 = arith.select %lt3A_58, %select_n3A, %broadcast_in_dim3A_77 : vector<131072xi1>, vector<131072xi32>
    %swap3A = arith.constant 0 : index
    %swap3A_79 = vector.load %arg4[%swap3A] : memref<131072xi32, #tpu.memory_space<vmem>>, vector<131072xi32>
    tpu.vector_store %arg4[%swap3A], %select_n3A_78 {strides = array<i32>} : memref<131072xi32, #tpu.memory_space<vmem>>, vector<131072xi32>,
    %sub3A_80 = arith.constant 6.000000e+01 : f32
    %sub3A_81 = vector.broadcast %sub3A_80 : f32 to vector<131072xf32>
    %sub3A_82 = arith.subf %get3A_35, %sub3A_81 : vector<131072xf32>
    %mul3A_83 = arith.constant 1.000000e+02 : f32
    %mul3A_84 = vector.broadcast %mul3A_83 : f32 to vector<131072xf32>
    %mul3A_85 = arith.mulf %sub3A_82, %mul3A_84 : vector<131072xf32>
    %div3A_86 = arith.constant 6.000000e+01 : f32
    %div3A_87 = vector.broadcast %div3A_86 : f32 to vector<131072xf32>
    %div3A_88 = arith.divf %mul3A_85, %div3A_87 : vector<131072xf32>
    %floor3A_89 = math.floor %div3A_88 : vector<131072xf32>
    %convert_element_type3A_90 = arith.fptosi %floor3A_89 : vector<131072xf32> to vector<131072xi32>
    %jit3A_91 = arith.constant 0 : i32
    %jit3A_92 = arith.constant 99 : i32
    %max3A_93 = vector.broadcast %jit3A_91 : i32 to vector<131072xi32>
    %max3A_94 = arith.maxsi %max3A_93, %convert_element_type3A_90 : vector<131072xi32>
    %min3A_95 = vector.broadcast %jit3A_92 : i32 to vector<131072xi32>
    %min3A_96 = arith.minsi %min3A_95, %max3A_94 : vector<131072xi32>
    %ge3A_97 = arith.constant 6.000000e+01 : f32
    %ge3A_98 = vector.broadcast %ge3A_97 : f32 to vector<131072xf32>
    %ge3A_99 = arith.cmpf oge, %get3A_35, %ge3A_98 : vector<131072xf32>
    %le3A_100 = arith.constant 1.200000e+02 : f32
    %le3A_101 = vector.broadcast %le3A_100 : f32 to vector<131072xf32>
    %le3A_102 = arith.cmpf ole, %get3A_35, %le3A_101 : vector<131072xf32>
    %and3A_103 = arith.andi %ge3A_99, %le3A_102 : vector<131072xi1>
    %jit3A_104 = arith.constant 100 : i32
    %broadcast_in_dim3A_105 = vector.broadcast %jit3A_104 : i32 to vector<131072xi32>
    %select_n3A_106 = arith.select %and3A_103, %min3A_96, %broadcast_in_dim3A_105 : vector<131072xi1>, vector<131072xi32>
    %jit3A_107 = arith.constant 100 : i32
    %broadcast_in_dim3A_108 = vector.broadcast %jit3A_107 : i32 to vector<131072xi32>
    %select_n3A_109 = arith.select %lt3A_58, %select_n3A_106, %broadcast_in_dim3A_108 : vector<131072xi1>, vector<131072xi32>
    %swap3A_110 = arith.constant 0 : index
    %swap3A_111 = vector.load %arg5[%swap3A_110] : memref<131072xi32, #tpu.memory_space<vmem>>, vector<131072xi32>
    tpu.vector_store %arg5[%swap3A_110], %select_n3A_109 {strides = array<i32>} : memref<131072xi32, #tpu.memory_space<vmem>>, vector<131072xi32>,
    return
  }
  func.func @transform_0(%arg0: i32) -> (i32, i32) {
    %c0_i32 = arith.constant 0 : i32
    %c0_i32_0 = arith.constant 0 : i32
    return %c0_i32, %arg0 : i32, i32
  }
  func.func @transform_1(%arg0: i32) -> (i32, i32) {
    %c0_i32 = arith.constant 0 : i32
    %c0_i32_0 = arith.constant 0 : i32
    return %c0_i32, %arg0 : i32, i32
  }
  func.func @transform_2(%arg0: i32) -> (i32, i32, i32) {
    %c0_i32 = arith.constant 0 : i32
    %c0_i32_0 = arith.constant 0 : i32
    %c0_i32_1 = arith.constant 0 : i32
    return %c0_i32, %c0_i32_0, %arg0 : i32, i32, i32
  }
  func.func @transform_3(%arg0: i32) -> i32 {
    %c0_i32 = arith.constant 0 : i32
    return %arg0 : i32
  }
  func.func @transform_4(%arg0: i32) -> i32 {
    %c0_i32 = arith.constant 0 : i32
    return %arg0 : i32
  }
}

module attributes {stable_mosaic.version = 14 : i64} {
  func.func @_kl_body(%arg0: memref<512x256xf32, #tpu.memory_space<vmem>>, %arg1: memref<1x1xf32, #tpu.memory_space<vmem>>) attributes {dimension_semantics = [], scalar_prefetch = 0 : i64, scratch_operands = 0 : i64, tpu.core_type = #tpu.core_type<tc>} {
    %get3A = arith.constant 0 : index
    %get3A_0 = arith.constant 0 : index
    %get3A_1 = vector.load %arg0[%get3A, %get3A_0] : memref<512x256xf32, #tpu.memory_space<vmem>>, vector<512x256xf32>
    %reduce_sum3A = arith.constant dense<0.000000e+00> : vector<256xf32>
    %reduce_sum3A_2 = vector.multi_reduction <add>, %get3A_1, %reduce_sum3A [0] : vector<512x256xf32> to vector<256xf32>
    %broadcast_in_dim3A = vector.shape_cast %reduce_sum3A_2 : vector<256xf32> to vector<1x256xf32>
    %slice3A = vector.extract_strided_slice %broadcast_in_dim3A {offsets = [0, 0], sizes = [1, 100], strides = [1, 1]} : vector<1x256xf32> to vector<1x100xf32>
    %slice3A_3 = vector.extract_strided_slice %broadcast_in_dim3A {offsets = [0, 128], sizes = [1, 100], strides = [1, 1]} : vector<1x256xf32> to vector<1x100xf32>
    %gt3A = arith.constant 0.000000e+00 : f32
    %gt3A_4 = vector.broadcast %gt3A : f32 to vector<1x100xf32>
    %gt3A_5 = arith.cmpf ogt, %slice3A_3, %gt3A_4 : vector<1x100xf32>
    %gt3A_6 = arith.constant 0.000000e+00 : f32
    %gt3A_7 = vector.broadcast %gt3A_6 : f32 to vector<1x100xf32>
    %gt3A_8 = arith.cmpf ogt, %slice3A_3, %gt3A_7 : vector<1x100xf32>
    %jit3A = arith.constant 1.000000e+00 : f32
    %broadcast_in_dim3A_9 = vector.broadcast %jit3A : f32 to vector<1x100xf32>
    %select_n3A = arith.select %gt3A_8, %slice3A_3, %broadcast_in_dim3A_9 : vector<1x100xi1>, vector<1x100xf32>
    %log3A = math.log %select_n3A : vector<1x100xf32>
    %sub3A = arith.subf %log3A, %slice3A : vector<1x100xf32>
    %mul3A = arith.mulf %slice3A_3, %sub3A : vector<1x100xf32>
    %jit3A_10 = arith.constant 0.000000e+00 : f32
    %broadcast_in_dim3A_11 = vector.broadcast %jit3A_10 : f32 to vector<1x100xf32>
    %select_n3A_12 = arith.select %gt3A_5, %mul3A, %broadcast_in_dim3A_11 : vector<1x100xi1>, vector<1x100xf32>
    %reduce_sum3A_13 = vector.shape_cast %select_n3A_12 : vector<1x100xf32> to vector<1x1x100xf32>
    %reduce_sum3A_14 = arith.constant dense<0.000000e+00> : vector<1xf32>
    %reduce_sum3A_15 = vector.multi_reduction <add>, %reduce_sum3A_13, %reduce_sum3A_14 [1, 2] : vector<1x1x100xf32> to vector<1xf32>
    %reduce_sum3A_16 = vector.shape_cast %reduce_sum3A_15 : vector<1xf32> to vector<1x1x1xf32>
    %reduce_sum3A_17 = vector.extract %reduce_sum3A_16[0, 0, 0] : f32 from vector<1x1x1xf32>
    %div3A = arith.constant 1.000000e+02 : f32
    %div3A_18 = arith.divf %reduce_sum3A_17, %div3A : f32
    %reshape3A = vector.broadcast %div3A_18 : f32 to vector<1x1xf32>
    %swap3A = arith.constant 0 : index
    %swap3A_19 = arith.constant 0 : index
    %swap3A_20 = vector.load %arg1[%swap3A, %swap3A_19] : memref<1x1xf32, #tpu.memory_space<vmem>>, vector<1x1xf32>
    tpu.vector_store %arg1[%swap3A, %swap3A_19], %reshape3A {strides = array<i32>} : memref<1x1xf32, #tpu.memory_space<vmem>>, vector<1x1xf32>,
    return
  }
}

</mosaic_0001>

<sc_bundles>
// kernel: kernel.5.cloned.1.call-start
scs
__scs_entry_jumppad:
0x0: {  	(pc) =	sbr.rel $0x88, $3  }
0x1: {  	(tag) =	ssettag $0x0;
	lr =	simm.s32 $0x1  }
0x2: {  	[smem:$0x3F9E] =	sst lr;
	_ =	strace $0xD0000000  }
0x3: {  	_ = 	snop  }
0x4: {  	_ = 	snop  }
0x5: {  	_ = 	snop  }
0x6: {  	_ = 	snop  }
0x7: {  	_ = 	snop  }
__scs_overlays_trampoline_lowered:
0x8: {  	[smem:$0x3FAD] =	sst s0  }
0x9: {  	[smem:$0x3FAE] =	sst s1  }
0xa: {  	[smem:$0x3FAF] =	sst s2  }
0xb: {  	[smem:$0x3FB0] =	sst s3  }
0xc: {  	[smem:$0x3FB1] =	sst s4  }
0xd: {  	[smem:$0x3FB2] =	sst s5  }
0xe: {  	[smem:$0x3FB3] =	sst s6  }
0xf: {  	[smem:$0x3FB4] =	sst s7  }
0x10: {  	[smem:$0x3FB5] =	sst s8  }
0x11: {  	[smem:$0x3FB6] =	sst s9;
	s0 =	simm.s32 @!p0 $0x0  }
0x12: {  	s1 =	sld [smem:$0x3F9C];
	s0 =	simm.s32 @p0 $0x1  }
0x13: {  	[smem:$0x3FB7] =	sst s0;
	s0 =	simm.s32 @!p1 $0x0  }
0x14: {  	s2 =	sld [smem:$0x3F9B];
	s0 =	simm.s32 @p1 $0x1  }
0x15: {  	[smem:$0x3FB8] =	sst s0;
	s0 =	simm.s32 @!p2 $0x0  }
0x16: {  	s3 =	sld [smem:$0x3FDB];
	s0 =	simm.s32 @p2 $0x1  }
0x17: {  	s4 =	simm.s32 $0x1BF5;
	[smem:$0x3FBA] =	sst s0  }
0x18: {  	s0 =	sld [smem:$0x3F9D];
	_ =	swait.ge [sflag:s4], $0x0  }
0x19: {  	s7 =	sld [smem:$0x3F9E]  }
0x1a: {  	s8 =	sadd.s32 $0xFFFFE003, lr  }
0x1b: {  	s9 =	sadd.s32 $0xFFFFFEF7, lr;
	s5 =	simm.s32 $0xFFFFFFFF;
	p2 =	slt.u32 s8, $0xFFFFF086  }
0x1c: {  	p1 =	slt.u32 s9, $0xF7A;
	s5 =	simm.s32 @!p2 $0x0  }
0x1d: {  	s5 =	simm.s32 @p1 $0x1;
	p0 =	seq.s32 s7, s2  }
0x1e: {  	s7 =	smul.u32 @!p0 $0xF7A, s2;
	p2 =	seq.s32 @!p0 s5, $0x0  }
0x1f: {  	s9 =	smul.u32 $0xF7A, s1;
	s8 =	simm.s32 @!p0 $0x1BF5;
	p2 =	por !p2, p0  }
0x20: {  	[sflag:s8] =	ssyncset.s32 @!p0 $0xFFFFF086;
	s6 =	sadd.s32 @!p0 s3, s7;
	s7 =	simm.s32 @!p0 $0x108  }
0x21: {  	s3 =	sadd.s32 s3, s9;
	s6 =	sadd.s32 @!p0 $0x88, s6;
	s7 =	simm.s32 @p2 $0x1082  }
0x22: {  	[simem:s7], [sflag:s8] =	dma.local @!p0 [hbm:s6], $0xF7A  }
0x23: {  	s9 =	sor.u32 $0xD0000000, s2;
	s6 =	simm.s32 $0x108;
	_ =	swait.ge @!p0 [sflag:s8], $0x0  }
0x24: {  	s3 =	sadd.s32 $0x88, s3;
	s6 =	simm.s32 @!p1 $0x1082;
	[sflag:s4] =	ssyncset.s32 $0xFFFFF086  }
0x25: {  	[simem:s6], [sflag:s4] =	dma.local [hbm:s3], $0xF7A  }
0x26: {  	[smem:$0x3F9E] =	sst s1;
	(tag) =	ssettag s2;
	_ =	strace s9  }
0x27: {  	s1 =	sld [smem:$0x3FAE]  }
0x28: {  	s2 =	sld [smem:$0x3FAF]  }
0x29: {  	s4 =	sld [smem:$0x3FB1]  }
0x2a: {  	p0 =	seq.s32 s5, $0x0;
	s5 =	sld [smem:$0x3FB2]  }
0x2b: {  	s6 =	sld [smem:$0x3FB3]  }
0x2c: {  	s7 =	sld [smem:$0x3FB4]  }
0x2d: {  	s3 =	simm.s32 $0x108;
	s8 =	sld [smem:$0x3FB5]  }
0x2e: {  	s3 =	simm.s32 @!p0 $0x1082;
	s9 =	sld [smem:$0x3FB6]  }
0x2f: {  	lr =	sadd.s32 s0, s3;
	s0 =	sld [smem:$0x3FAD]  }
0x30: {  	s3 =	sld [smem:$0x3FB0]  }
0x31: {  	[smem:$0x3FB9] =	sst s10  }
0x32: {  	s10 =	sld [smem:$0x3FB7];
	_ =	sdelay $0x3  }
0x33: {  	p0 =	seq.s32 s10, $0x1;
	s10 =	sld [smem:$0x3FB9];
	_ =	sdelay $0x3  }
0x34: {  	[smem:$0x3FB9] =	sst s10  }
0x35: {  	s10 =	sld [smem:$0x3FB8];
	_ =	sdelay $0x3  }
0x36: {  	p1 =	seq.s32 s10, $0x1;
	s10 =	sld [smem:$0x3FB9];
	_ =	sdelay $0x3  }
0x37: {  	[smem:$0x3FB9] =	sst s10  }
0x38: {  	s10 =	sld [smem:$0x3FBA]  }
0x39: {  	_ = 	snop;
	(pc) =	sbr.ind lr, $3  }
0x3a: {  	_ = 	snop  }
0x3b: {  	_ = 	snop  }
0x3c: {  	p2 =	seq.s32 s10, $0x1;
	s10 =	sld [smem:$0x3FB9]  }
0x3d: {  	_ =	shalt  }
0x3e: {  	_ =	shalt  }
0x3f: {  	_ =	shalt  }
0x40: {  	_ =	shalt  }
0x41: {  	_ =	shalt  }
0x42: {  	_ =	shalt  }
0x43: {  	_ =	shalt  }
0x44: {  	_ =	shalt  }
0x45: {  	_ =	shalt  }
0x46: {  	_ =	shalt  }
0x47: {  	_ =	shalt  }
0x48: {  	_ =	shalt  }
0x49: {  	_ =	shalt  }
0x4a: {  	_ =	shalt  }
0x4b: {  	_ =	shalt  }
0x4c: {  	_ =	shalt  }
0x4d: {  	_ =	shalt  }
0x4e: {  	_ =	shalt  }
0x4f: {  	_ =	shalt  }
0x50: {  	_ =	shalt  }
0x51: {  	_ =	shalt  }
0x52: {  	_ =	shalt  }
0x53: {  	_ =	shalt  }
0x54: {  	_ =	shalt  }
0x55: {  	_ =	shalt  }
0x56: {  	_ =	shalt  }
0x57: {  	_ =	shalt  }
0x58: {  	_ =	shalt  }
0x59: {  	_ =	shalt  }
0x5a: {  	_ =	shalt  }
0x5b: {  	_ =	shalt  }
0x5c: {  	_ =	shalt  }
0x5d: {  	_ =	shalt  }
0x5e: {  	_ =	shalt  }
0x5f: {  	_ =	shalt  }
0x60: {  	_ =	shalt  }
0x61: {  	_ =	shalt  }
0x62: {  	_ =	shalt  }
0x63: {  	_ =	shalt  }
0x64: {  	_ =	shalt  }
0x65: {  	_ =	shalt  }
0x66: {  	_ =	shalt  }
0x67: {  	_ =	shalt  }
0x68: {  	_ =	shalt  }
0x69: {  	_ =	shalt  }
0x6a: {  	_ =	shalt  }
0x6b: {  	_ =	shalt  }
0x6c: {  	_ =	shalt  }
0x6d: {  	_ =	shalt  }
0x6e: {  	_ =	shalt  }
0x6f: {  	_ =	shalt  }
0x70: {  	_ =	shalt  }
0x71: {  	_ =	shalt  }
0x72: {  	_ =	shalt  }
0x73: {  	_ =	shalt  }
0x74: {  	_ =	shalt  }
0x75: {  	_ =	shalt  }
0x76: {  	_ =	shalt  }
0x77: {  	_ =	shalt  }
0x78: {  	_ =	shalt  }
0x79: {  	_ =	shalt  }
0x7a: {  	_ =	shalt  }
0x7b: {  	_ =	shalt  }
0x7c: {  	_ =	shalt  }
0x7d: {  	_ =	shalt  }
0x7e: {  	_ =	shalt  }
0x7f: {  	_ =	shalt  }
0x80: {  	_ =	shalt  }
0x81: {  	_ =	shalt  }
0x82: {  	_ =	shalt  }
0x83: {  	_ =	shalt  }
0x84: {  	_ =	shalt  }
0x85: {  	_ =	shalt  }
0x86: {  	_ =	shalt  }
0x87: {  	_ =	shalt  }
.Lfunc_end0:
.L_simem_size_0:
called_computation_lowered:
.L_overlay_start_0:
0x88: {  	s2 =	sld [smem:$0x3FD9]  }
0x89: {  	s3 =	sld [smem:$0x3FFE];
	_ =	sdelay $0x1  }
0x8a: {  	s1 =	srdreg.scid  }
0x8b: {  	s0 =	sand.u32 $0x1, s1  }
0x8c: {  	s16 =	sshll.u32 s0, $0xA;
	s2 =	sadd.s32 s3, s2  }
0x8d: {  	s2 =	sadd.s32 s2, s16  }
0x8e: {  	[smem:$0x3FC5] =	sst s2  }
0x8f: {  	_ = 	snop  }
0x90: {  	(tm) =	ssettm $0x1  }
0x91: {  	s17 =	sld [smem:$0x3FFB];
	_ =	sdelay $0x3  }
0x92: {  	_ =	strace s17  }
0x93: {  	s2 =	sld [smem:$0x3FFC];
	_ =	sdelay $0x3  }
0x94: {  	_ =	strace s2  }
0x95: {  	s2 =	sld [smem:$0x3FFD];
	_ =	sdelay $0x3  }
0x96: {  	_ =	strace s2  }
0x97: {  	_ =	strace $0x8FFFFFFF  }
0x98: {  	s18 =	sld [smem:$0x3FDB];
	_ =	sdelay $0x1  }
0x99: {  	s19 =	simm.s32 $_scs_section_size  }
0x9a: {  	s4 =	simm.s32 $_size__tile_overlayer_lowered;
	s5 =	simm.s32 $_tile_overlayer_lowered  }
0x9b: {  	s22 =	simm.s32 $0x1BFF;
	s21 =	sshll.u32 s5, $0x1;
	s2 =	sadd.s32 s19, s18  }
0x9c: {  	s6 =	simm.s32 $0x0;
	s20 =	sshll.u32 s4, $0x1;
	s4 =	sadd.s32 s21, s2  }
0x9d: {  	[timem:s6], [sflag:s22] =	dma.local [hbm:s4], s20  }
0x9e: {  	_ =	swait.ge [sflag:s22], s20  }
0x9f: {  	s3 =	ssub.s32 $0x0, s20;
	[sflag:s22] =	ssyncset.done $0x0  }
0xa0: {  	[sflag:s22] =	ssyncadd.s32 s3;
	_ =	sdelay $0x1  }
0xa1: {  	s23 =	simm.s32 $0x1B8B  }
0xa2: {  	_ =	swait.ge [sflag:s23], $0x1  }
0xa3: {  	[sflag:s23] =	ssyncset.done $0x0  }
0xa4: {  	s25 =	simm.s32 $0x1B8E;
	s24 =	sld [smem:$0x3FFE];
	[sflag:s23] =	ssyncadd.s32 $0xFFFFFFFF  }
0xa5: {  	s26 =	simm.s32 $execute0_lowered;
	[smem:$0x3FD2] =	sst s25  }
0xa6: {  	s4 =	sshll.u32 s26, $0x1;
	_ =	strace $0x80000046;
	[dreg:$0x1] =	wrdreg $0xFFFFFFFF  }
0xa7: {  	s28 =	simm.s32 $_size_execute0_lowered;
	s2 =	sadd.s32 s2, s4;
	[dreg:$0x0] =	wrdreg $0x0  }
0xa8: {  	s4 =	sshll.u32 s28, $0x1;
	[dreg:$0x2] =	wrdreg s2  }
0xa9: {  	[dreg:$0x3] =	wrdreg s4  }
0xaa: {  	[dreg:$0x4] =	wrdreg $0xC0  }
0xab: {  	_ =	task [dreg:s6], $0x5FFFF  }
0xac: {  	[dreg:$0x1] =	wrdreg $0xFFFFFFFF  }
0xad: {  	[dreg:$0x0] =	wrdreg $0x60  }
0xae: {  	[dreg:$0x2] =	wrdreg s24  }
0xaf: {  	[dreg:$0x3] =	wrdreg $0x9  }
0xb0: {  	_ =	task.clear_ibuf [dreg:s6], $0x4FFFF;
	_ =	strace $0x90000046  }
0xb1: {  	s29 =	simm.s32 $0x9;
	_ =	strace $0x80000048  }
0xb2: {  	_ =	swait.ge [sflag:s29], $0x1  }
0xb3: {  	[sflag:s29] =	ssyncadd.s32 $0xFFFFFFFF  }
0xb4: {  	_ =	strace $0x90000048  }
0xb5: {  	_ =	sfence  }
0xb6: {  	s30 =	sld [smem:$0x0];
	_ =	sdelay $0x2  }
0xb7: {  	s31 =	sshll.u32 s1, $0xD;
	s1 =	sshrl.u32 s1, $0x2  }
0xb8: {  	s3 =	sand.u32 $0x4000, s31;
	s1 =	sadd.s32 s1, s30  }
0xb9: {  	s0 =	sor.u32 s3, s0;
	s1 =	sshll.u32 s1, $0x11  }
0xba: {  	s0 =	sor.u32 s1, s0  }
0xbb: {  	s0 =	sadd.s32 $0x8F2B, s0  }
0xbc: {  	[sflag:s0] =	ssyncadd.remote.s32 $0x1  }
0xbd: {  	_ =	sfence.sel $0xFFFF  }
0xbe: {  	[dreg:$0x0] =	wrdreg $0xFFFFFFFF;
	(pc) =	sbr.abs _section_cstart, $3  }
0xbf: {  	[dreg:$0x1] =	wrdreg $0xFFFFFFFF  }
0xc0: {  	_ =	task.clear_ibuf [dreg:s6], $0x2FFFF;
	_ =	strace $0x9FFFFFFF  }
0xc1: {  	(tm) =	ssettm $0x7FFFFFFF  }
tec
execute0_lowered:
.L_overlay_start_1:
0x0: {  	(tag) =	ssettag $0x1  }
0x1: {  	s3 =	rddreg [dreg:$0x0]  }
0x2: {  	s0 =	rddreg [dreg:$0x1];
	s2 =	simm.s32 $0x0;
	s1 =	stileid.u32  }
0x3: {  	s4 =	srdreg.scid;
	s16 =	simm.s32 $0x2;
	s17 =	simm.s32 $0x80  }
0x4: {  	s18 =	simm.s32 $0x400;
	s19 =	simm.s32 $0x3;
	s20 =	simm.s32 $0x0  }
0x5: {  	[smem:$0x7FF] =	sst s2;
	s6 =	sadd.s32 $0x40800, s3;
	s4 =	sand.u32 $0x1, s4  }
0x6: {  	s5 =	sshll.u32 s1, $0x1;
	s10 =	sadd.s32 $0x800, s3;
	s7 =	sshll.u32 s1, $0xA  }
0x7: {  	_ =	strace $0x80000047;
	s5 =	sor.u32 s4, s5;
	s7 =	sand.u32 $0x3000, s7  }
0x8: {  	s4 =	ssub.s32 $0x2, s4;
	s8 =	sshll.u32 s5, $0xD;
	s9 =	sadd.s32 s7, s3  }
0x9: {  	s29 =	sshrl.u32 s4, $0x1;
	s30 =	sshll.u32 s5, $0x4;
	s11 =	sor.u32 $0x800, s8  }
0xa: {  	s12 =	ssub.s32 s4, s29;
	s3 =	sadd.s32 s6, s8;
	s13 =	sor.u32 $0x1000, s8  }
0xb: {  	s14 =	sor.u32 $0x1800, s8;
	s15 =	sand.u32 $0x70, s30;
	s7 =	sadd.s32 s10, s8  }
0xc: {  	v0 =	vlaneseq.u32;
	s4 =	sadd.s32 s6, s11;
	s5 =	sadd.s32 s6, s13;
	s6 =	sadd.s32 s6, s14  }
0xd: {  	v0 =	vmul.u32 $0x100, v0;
	s8 =	sadd.s32 s10, s11;
	s31 =	sadd.s32 s15, s9;
	s9 =	sadd.s32 s10, s13  }
0xe: {  	s10 =	sadd.s32 s10, s14;
	s12 =	smax.u32 s12, $0x1;
	s13 =	simm.s32 $0x1  }
0xf: {  	v1 =	vimm.f32 $0.0e+00;
	v2 =	vimm.f32 $1.000000000e+00;
	v3 =	vor.u32 $0x80, v0;
	s14 =	simm.s32 $0x4000;
	s15 =	simm.s32 $0x8000;
	s11 =	sadd.s32 $0x80800, s31  }
.LBB2_1:
0x10: {  	[tilespmem:$0x8000] =	vst v1  }
0x11: {  	[tilespmem:$0x8010] =	vst v1  }
0x12: {  	[tilespmem:$0x8020] =	vst v1  }
0x13: {  	[tilespmem:$0x8030] =	vst v1  }
0x14: {  	[tilespmem:$0x8040] =	vst v1  }
0x15: {  	[tilespmem:$0x8050] =	vst v1  }
0x16: {  	[tilespmem:$0x8060] =	vst v1  }
0x17: {  	[tilespmem:$0x8070] =	vst v1  }
0x18: {  	[tilespmem:$0x8080] =	vst v1  }
0x19: {  	[tilespmem:$0x8090] =	vst v1  }
0x1a: {  	[tilespmem:$0x80A0] =	vst v1  }
0x1b: {  	[tilespmem:$0x80B0] =	vst v1  }
0x1c: {  	[tilespmem:$0x80C0] =	vst v1  }
0x1d: {  	[tilespmem:$0x80D0] =	vst v1  }
0x1e: {  	[tilespmem:$0x80E0] =	vst v1  }
0x1f: {  	[tilespmem:$0x80F0] =	vst v1  }
0x20: {  	[tilespmem:$0x8100] =	vst v1  }
0x21: {  	[tilespmem:$0x8110] =	vst v1  }
0x22: {  	[tilespmem:$0x8120] =	vst v1  }
0x23: {  	[tilespmem:$0x8130] =	vst v1  }
0x24: {  	[tilespmem:$0x8140] =	vst v1  }
0x25: {  	[tilespmem:$0x8150] =	vst v1  }
0x26: {  	[tilespmem:$0x8160] =	vst v1  }
0x27: {  	[tilespmem:$0x8170] =	vst v1  }
0x28: {  	[tilespmem:$0x8180] =	vst v1  }
0x29: {  	[tilespmem:$0x8190] =	vst v1  }
0x2a: {  	[tilespmem:$0x81A0] =	vst v1  }
0x2b: {  	[tilespmem:$0x81B0] =	vst v1  }
0x2c: {  	[tilespmem:$0x81C0] =	vst v1  }
0x2d: {  	[tilespmem:$0x81D0] =	vst v1  }
0x2e: {  	[tilespmem:$0x81E0] =	vst v1  }
0x2f: {  	[tilespmem:$0x81F0] =	vst v1  }
0x30: {  	[tilespmem:$0x8200] =	vst v1  }
0x31: {  	[tilespmem:$0x8210] =	vst v1  }
0x32: {  	[tilespmem:$0x8220] =	vst v1  }
0x33: {  	[tilespmem:$0x8230] =	vst v1  }
0x34: {  	[tilespmem:$0x8240] =	vst v1  }
0x35: {  	[tilespmem:$0x8250] =	vst v1  }
0x36: {  	[tilespmem:$0x8260] =	vst v1  }
0x37: {  	[tilespmem:$0x8270] =	vst v1  }
0x38: {  	[tilespmem:$0x8280] =	vst v1  }
0x39: {  	[tilespmem:$0x8290] =	vst v1  }
0x3a: {  	[tilespmem:$0x82A0] =	vst v1  }
0x3b: {  	[tilespmem:$0x82B0] =	vst v1  }
0x3c: {  	[tilespmem:$0x82C0] =	vst v1  }
0x3d: {  	[tilespmem:$0x82D0] =	vst v1  }
0x3e: {  	[tilespmem:$0x82E0] =	vst v1  }
0x3f: {  	[tilespmem:$0x82F0] =	vst v1  }
0x40: {  	[tilespmem:$0x8300] =	vst v1  }
0x41: {  	[tilespmem:$0x8310] =	vst v1  }
0x42: {  	[tilespmem:$0x8320] =	vst v1  }
0x43: {  	[tilespmem:$0x8330] =	vst v1  }
0x44: {  	[tilespmem:$0x8340] =	vst v1  }
0x45: {  	[tilespmem:$0x8350] =	vst v1  }
0x46: {  	[tilespmem:$0x8360] =	vst v1  }
0x47: {  	[tilespmem:$0x8370] =	vst v1  }
0x48: {  	[tilespmem:$0x8380] =	vst v1  }
0x49: {  	[tilespmem:$0x8390] =	vst v1  }
0x4a: {  	[tilespmem:$0x83A0] =	vst v1  }
0x4b: {  	[tilespmem:$0x83B0] =	vst v1  }
0x4c: {  	[tilespmem:$0x83C0] =	vst v1  }
0x4d: {  	[tilespmem:$0x83D0] =	vst v1  }
0x4e: {  	[tilespmem:$0x83E0] =	vst v1  }
0x4f: {  	[tilespmem:$0x83F0] =	vst v1  }
0x50: {  	[tilespmem:$0x8400] =	vst v1  }
0x51: {  	[tilespmem:$0x8410] =	vst v1  }
0x52: {  	[tilespmem:$0x8420] =	vst v1  }
0x53: {  	[tilespmem:$0x8430] =	vst v1  }
0x54: {  	[tilespmem:$0x8440] =	vst v1  }
0x55: {  	[tilespmem:$0x8450] =	vst v1  }
0x56: {  	[tilespmem:$0x8460] =	vst v1  }
0x57: {  	[tilespmem:$0x8470] =	vst v1  }
0x58: {  	[tilespmem:$0x8480] =	vst v1  }
0x59: {  	[tilespmem:$0x8490] =	vst v1  }
0x5a: {  	[tilespmem:$0x84A0] =	vst v1  }
0x5b: {  	[tilespmem:$0x84B0] =	vst v1  }
0x5c: {  	[tilespmem:$0x84C0] =	vst v1  }
0x5d: {  	[tilespmem:$0x84D0] =	vst v1  }
0x5e: {  	[tilespmem:$0x84E0] =	vst v1  }
0x5f: {  	[tilespmem:$0x84F0] =	vst v1  }
0x60: {  	[tilespmem:$0x8500] =	vst v1  }
0x61: {  	[tilespmem:$0x8510] =	vst v1  }
0x62: {  	[tilespmem:$0x8520] =	vst v1  }
0x63: {  	[tilespmem:$0x8530] =	vst v1  }
0x64: {  	[tilespmem:$0x8540] =	vst v1  }
0x65: {  	[tilespmem:$0x8550] =	vst v1  }
0x66: {  	[tilespmem:$0x8560] =	vst v1  }
0x67: {  	[tilespmem:$0x8570] =	vst v1  }
0x68: {  	[tilespmem:$0x8580] =	vst v1  }
0x69: {  	[tilespmem:$0x8590] =	vst v1  }
0x6a: {  	[tilespmem:$0x85A0] =	vst v1  }
0x6b: {  	[tilespmem:$0x85B0] =	vst v1  }
0x6c: {  	[tilespmem:$0x85C0] =	vst v1  }
0x6d: {  	[tilespmem:$0x85D0] =	vst v1  }
0x6e: {  	[tilespmem:$0x85E0] =	vst v1  }
0x6f: {  	[tilespmem:$0x85F0] =	vst v1  }
0x70: {  	[tilespmem:$0x8600] =	vst v1  }
0x71: {  	[tilespmem:$0x8610] =	vst v1  }
0x72: {  	[tilespmem:$0x8620] =	vst v1  }
0x73: {  	[tilespmem:$0x8630] =	vst v1  }
0x74: {  	[tilespmem:$0x8640] =	vst v1  }
0x75: {  	[tilespmem:$0x8650] =	vst v1  }
0x76: {  	[tilespmem:$0x8660] =	vst v1  }
0x77: {  	[tilespmem:$0x8670] =	vst v1  }
0x78: {  	[tilespmem:$0x8680] =	vst v1  }
0x79: {  	[tilespmem:$0x8690] =	vst v1  }
0x7a: {  	[tilespmem:$0x86A0] =	vst v1  }
0x7b: {  	[tilespmem:$0x86B0] =	vst v1  }
0x7c: {  	[tilespmem:$0x86C0] =	vst v1  }
0x7d: {  	[tilespmem:$0x86D0] =	vst v1  }
0x7e: {  	[tilespmem:$0x86E0] =	vst v1  }
0x7f: {  	[tilespmem:$0x86F0] =	vst v1  }
0x80: {  	[tilespmem:$0x8700] =	vst v1  }
0x81: {  	[tilespmem:$0x8710] =	vst v1  }
0x82: {  	[tilespmem:$0x8720] =	vst v1  }
0x83: {  	[tilespmem:$0x8730] =	vst v1  }
0x84: {  	[tilespmem:$0x8740] =	vst v1  }
0x85: {  	[tilespmem:$0x8750] =	vst v1  }
0x86: {  	[tilespmem:$0x8760] =	vst v1  }
0x87: {  	[tilespmem:$0x8770] =	vst v1  }
0x88: {  	[tilespmem:$0x8780] =	vst v1  }
0x89: {  	[tilespmem:$0x8790] =	vst v1  }
0x8a: {  	[tilespmem:$0x87A0] =	vst v1  }
0x8b: {  	[tilespmem:$0x87B0] =	vst v1  }
0x8c: {  	[tilespmem:$0x87C0] =	vst v1  }
0x8d: {  	[tilespmem:$0x87D0] =	vst v1  }
0x8e: {  	[tilespmem:$0x87E0] =	vst v1  }
0x8f: {  	[tilespmem:$0x87F0] =	vst v1  }
0x90: {  	[tilespmem:$0x8800] =	vst v1  }
0x91: {  	[tilespmem:$0x8810] =	vst v1  }
0x92: {  	[tilespmem:$0x8820] =	vst v1  }
0x93: {  	[tilespmem:$0x8830] =	vst v1  }
0x94: {  	[tilespmem:$0x8840] =	vst v1  }
0x95: {  	[tilespmem:$0x8850] =	vst v1  }
0x96: {  	[tilespmem:$0x8860] =	vst v1  }
0x97: {  	[tilespmem:$0x8870] =	vst v1  }
0x98: {  	[tilespmem:$0x8880] =	vst v1  }
0x99: {  	[tilespmem:$0x8890] =	vst v1  }
0x9a: {  	[tilespmem:$0x88A0] =	vst v1  }
0x9b: {  	[tilespmem:$0x88B0] =	vst v1  }
0x9c: {  	[tilespmem:$0x88C0] =	vst v1  }
0x9d: {  	[tilespmem:$0x88D0] =	vst v1  }
0x9e: {  	[tilespmem:$0x88E0] =	vst v1  }
0x9f: {  	[tilespmem:$0x88F0] =	vst v1  }
0xa0: {  	[tilespmem:$0x8900] =	vst v1  }
0xa1: {  	[tilespmem:$0x8910] =	vst v1  }
0xa2: {  	[tilespmem:$0x8920] =	vst v1  }
0xa3: {  	[tilespmem:$0x8930] =	vst v1  }
0xa4: {  	[tilespmem:$0x8940] =	vst v1  }
0xa5: {  	[tilespmem:$0x8950] =	vst v1  }
0xa6: {  	[tilespmem:$0x8960] =	vst v1  }
0xa7: {  	[tilespmem:$0x8970] =	vst v1  }
0xa8: {  	[tilespmem:$0x8980] =	vst v1  }
0xa9: {  	[tilespmem:$0x8990] =	vst v1  }
0xaa: {  	[tilespmem:$0x89A0] =	vst v1  }
0xab: {  	[tilespmem:$0x89B0] =	vst v1  }
0xac: {  	[tilespmem:$0x89C0] =	vst v1  }
0xad: {  	[tilespmem:$0x89D0] =	vst v1  }
0xae: {  	[tilespmem:$0x89E0] =	vst v1  }
0xaf: {  	[tilespmem:$0x89F0] =	vst v1  }
0xb0: {  	[tilespmem:$0x8A00] =	vst v1  }
0xb1: {  	[tilespmem:$0x8A10] =	vst v1  }
0xb2: {  	[tilespmem:$0x8A20] =	vst v1  }
0xb3: {  	[tilespmem:$0x8A30] =	vst v1  }
0xb4: {  	[tilespmem:$0x8A40] =	vst v1  }
0xb5: {  	[tilespmem:$0x8A50] =	vst v1  }
0xb6: {  	[tilespmem:$0x8A60] =	vst v1  }
0xb7: {  	[tilespmem:$0x8A70] =	vst v1  }
0xb8: {  	[tilespmem:$0x8A80] =	vst v1  }
0xb9: {  	[tilespmem:$0x8A90] =	vst v1  }
0xba: {  	[tilespmem:$0x8AA0] =	vst v1  }
0xbb: {  	[tilespmem:$0x8AB0] =	vst v1  }
0xbc: {  	[tilespmem:$0x8AC0] =	vst v1  }
0xbd: {  	[tilespmem:$0x8AD0] =	vst v1  }
0xbe: {  	[tilespmem:$0x8AE0] =	vst v1  }
0xbf: {  	[tilespmem:$0x8AF0] =	vst v1  }
0xc0: {  	[tilespmem:$0x8B00] =	vst v1  }
0xc1: {  	[tilespmem:$0x8B10] =	vst v1  }
0xc2: {  	[tilespmem:$0x8B20] =	vst v1  }
0xc3: {  	[tilespmem:$0x8B30] =	vst v1  }
0xc4: {  	[tilespmem:$0x8B40] =	vst v1  }
0xc5: {  	[tilespmem:$0x8B50] =	vst v1  }
0xc6: {  	[tilespmem:$0x8B60] =	vst v1  }
0xc7: {  	[tilespmem:$0x8B70] =	vst v1  }
0xc8: {  	[tilespmem:$0x8B80] =	vst v1  }
0xc9: {  	[tilespmem:$0x8B90] =	vst v1  }
0xca: {  	[tilespmem:$0x8BA0] =	vst v1  }
0xcb: {  	[tilespmem:$0x8BB0] =	vst v1  }
0xcc: {  	[tilespmem:$0x8BC0] =	vst v1  }
0xcd: {  	[tilespmem:$0x8BD0] =	vst v1  }
0xce: {  	[tilespmem:$0x8BE0] =	vst v1  }
0xcf: {  	[tilespmem:$0x8BF0] =	vst v1  }
0xd0: {  	[tilespmem:$0x8C00] =	vst v1  }
0xd1: {  	[tilespmem:$0x8C10] =	vst v1  }
0xd2: {  	[tilespmem:$0x8C20] =	vst v1  }
0xd3: {  	[tilespmem:$0x8C30] =	vst v1  }
0xd4: {  	[tilespmem:$0x8C40] =	vst v1  }
0xd5: {  	[tilespmem:$0x8C50] =	vst v1  }
0xd6: {  	[tilespmem:$0x8C60] =	vst v1  }
0xd7: {  	[tilespmem:$0x8C70] =	vst v1  }
0xd8: {  	[tilespmem:$0x8C80] =	vst v1  }
0xd9: {  	[tilespmem:$0x8C90] =	vst v1  }
0xda: {  	[tilespmem:$0x8CA0] =	vst v1  }
0xdb: {  	[tilespmem:$0x8CB0] =	vst v1  }
0xdc: {  	[tilespmem:$0x8CC0] =	vst v1  }
0xdd: {  	[tilespmem:$0x8CD0] =	vst v1  }
0xde: {  	[tilespmem:$0x8CE0] =	vst v1  }
0xdf: {  	[tilespmem:$0x8CF0] =	vst v1  }
0xe0: {  	[tilespmem:$0x8D00] =	vst v1  }
0xe1: {  	[tilespmem:$0x8D10] =	vst v1  }
0xe2: {  	[tilespmem:$0x8D20] =	vst v1  }
0xe3: {  	[tilespmem:$0x8D30] =	vst v1  }
0xe4: {  	[tilespmem:$0x8D40] =	vst v1  }
0xe5: {  	[tilespmem:$0x8D50] =	vst v1  }
0xe6: {  	[tilespmem:$0x8D60] =	vst v1  }
0xe7: {  	[tilespmem:$0x8D70] =	vst v1  }
0xe8: {  	[tilespmem:$0x8D80] =	vst v1  }
0xe9: {  	[tilespmem:$0x8D90] =	vst v1  }
0xea: {  	[tilespmem:$0x8DA0] =	vst v1  }
0xeb: {  	[tilespmem:$0x8DB0] =	vst v1  }
0xec: {  	[tilespmem:$0x8DC0] =	vst v1  }
0xed: {  	[tilespmem:$0x8DD0] =	vst v1  }
0xee: {  	[tilespmem:$0x8DE0] =	vst v1  }
0xef: {  	[tilespmem:$0x8DF0] =	vst v1  }
0xf0: {  	[tilespmem:$0x8E00] =	vst v1  }
0xf1: {  	[tilespmem:$0x8E10] =	vst v1  }
0xf2: {  	[tilespmem:$0x8E20] =	vst v1  }
0xf3: {  	[tilespmem:$0x8E30] =	vst v1  }
0xf4: {  	[tilespmem:$0x8E40] =	vst v1  }
0xf5: {  	[tilespmem:$0x8E50] =	vst v1  }
0xf6: {  	[tilespmem:$0x8E60] =	vst v1  }
0xf7: {  	[tilespmem:$0x8E70] =	vst v1  }
0xf8: {  	[tilespmem:$0x8E80] =	vst v1  }
0xf9: {  	[tilespmem:$0x8E90] =	vst v1  }
0xfa: {  	[tilespmem:$0x8EA0] =	vst v1  }
0xfb: {  	[tilespmem:$0x8EB0] =	vst v1  }
0xfc: {  	[tilespmem:$0x8EC0] =	vst v1  }
0xfd: {  	[tilespmem:$0x8ED0] =	vst v1  }
0xfe: {  	[tilespmem:$0x8EE0] =	vst v1  }
0xff: {  	[tilespmem:$0x8EF0] =	vst v1  }
0x100: {  	[tilespmem:$0x8F00] =	vst v1  }
0x101: {  	[tilespmem:$0x8F10] =	vst v1  }
0x102: {  	[tilespmem:$0x8F20] =	vst v1  }
0x103: {  	[tilespmem:$0x8F30] =	vst v1  }
0x104: {  	[tilespmem:$0x8F40] =	vst v1  }
0x105: {  	[tilespmem:$0x8F50] =	vst v1  }
0x106: {  	[tilespmem:$0x8F60] =	vst v1  }
0x107: {  	[tilespmem:$0x8F70] =	vst v1  }
0x108: {  	[tilespmem:$0x8F80] =	vst v1  }
0x109: {  	[tilespmem:$0x8F90] =	vst v1  }
0x10a: {  	[tilespmem:$0x8FA0] =	vst v1  }
0x10b: {  	[tilespmem:$0x8FB0] =	vst v1  }
0x10c: {  	[tilespmem:$0x8FC0] =	vst v1  }
0x10d: {  	[tilespmem:$0x8FD0] =	vst v1  }
0x10e: {  	[tilespmem:$0x8FE0] =	vst v1  }
0x10f: {  	[tilespmem:$0x8FF0] =	vst v1  }
0x110: {  	[tilespmem:s2], [sflag:$0x1] =	stream.linear.gather [hbm4b:s3+s2], $0x4000, $0x38;
	[tilespmem:$0x9000] =	vst v63  }
0x111: {  	_ =	swait.ge [sflag:s13], $0x4000  }
0x112: {  	[sflag:s13] =	ssyncset.done $0x0  }
0x113: {  	s21 =	simm.s32 $0x40;
	[sflag:s13] =	ssyncadd.s32 $0xFFFFC000  }
0x114: {  	[tilespmem:s14], [sflag:$0x2] =	stream.linear.gather [hbm4b:s4+s2], $0x4000, $0x38;
	[tilespmem:$0x9000] =	vst v63  }
0x115: {  	v4 =	vld [tilespmem:s21+$0x30]  }
0x116: {  	v5 =	vld [tilespmem:s21+$0xFFFFFFD0]  }
0x117: {  	v6 =	vld [tilespmem:s21+$0xFFFFFFE0]  }
0x118: {  	v7 =	vld [tilespmem:s21+$0xFFFFFFF0]  }
0x119: {  	v8 =	vld [tilespmem:s21+$0x0]  }
0x11a: {  	v9 =	vld [tilespmem:s21+$0x10];
	v4 =	vadd.s32 v0, v4  }
0x11b: {  	v5 =	vadd.s32 v0, v5  }
0x11c: {  	v6 =	vadd.s32 v0, v6  }
0x11d: {  	v10 =	vld [tilespmem:s21+$0x20];
	v7 =	vadd.s32 v0, v7  }
0x11e: {  	v11 =	vld [tilespmem:s21+$0xFFFFFFC0];
	v8 =	vadd.s32 v0, v8  }
0x11f: {  	v9 =	vadd.s32 v0, v9;
	[tilespmem:v4+s15+$0x0] =	vst.idx.add.f32.msk $0xffff, v2  }
0x120: {  	[tilespmem:v5+s15+$0x0] =	vst.idx.add.f32.msk $0xffff, v2  }
0x121: {  	[tilespmem:v6+s15+$0x0] =	vst.idx.add.f32.msk $0xffff, v2  }
0x122: {  	[tilespmem:v7+s15+$0x0] =	vst.idx.add.f32.msk $0xffff, v2  }
0x123: {  	[tilespmem:v8+s15+$0x0] =	vst.idx.add.f32.msk $0xffff, v2  }
0x124: {  	s22 =	simm.s32 $0xC0;
	s21 =	simm.s32 $0x0;
	v4 =	vadd.s32 v0, v10;
	v5 =	vadd.s32 v0, v11;
	[tilespmem:v9+s15+$0x0] =	vst.idx.add.f32.msk $0xffff, v2  }
.LBB2_2:
0x125: {  	v6 =	vld [tilespmem:s22+$0x30];
	s21 =	sadd.s32 $0x8, s21  }
0x126: {  	v7 =	vld [tilespmem:s22+$0xFFFFFFD0];
	p0 =	slt.u32 s21, $0x3F8  }
0x127: {  	v8 =	vld [tilespmem:s22+$0xFFFFFFE0]  }
0x128: {  	v9 =	vld [tilespmem:s22+$0xFFFFFFF0]  }
0x129: {  	v10 =	vld [tilespmem:s22+$0x0]  }
0x12a: {  	v11 =	vld [tilespmem:s22+$0x10];
	v6 =	vadd.s32 v0, v6  }
0x12b: {  	v7 =	vadd.s32 v0, v7;
	v12 =	vld [tilespmem:s22+$0x20]  }
0x12c: {  	v13 =	vld [tilespmem:s22+$0xFFFFFFC0];
	v8 =	vadd.s32 v0, v8  }
0x12d: {  	v9 =	vadd.s32 v0, v9;
	[tilespmem:v5+s15+$0x0] =	vst.idx.add.f32.msk $0xffff, v2  }
0x12e: {  	v10 =	vadd.s32 v0, v10;
	[tilespmem:v4+s15+$0x0] =	vst.idx.add.f32.msk $0xffff, v2  }
0x12f: {  	v11 =	vadd.s32 v0, v11;
	[tilespmem:v6+s15+$0x0] =	vst.idx.add.f32.msk $0xffff, v2  }
.Ltmp0:
0x130: {  	[tilespmem:v7+s15+$0x0] =	vst.idx.add.f32.msk $0xffff, v2;
	v4 =	vadd.s32 v0, v12;
	(pc) =	sbr.rel @p0 .LBB2_2-.Ltmp0, $4  }
0x131: {  	v5 =	vadd.s32 v0, v13;
	[tilespmem:v8+s15+$0x0] =	vst.idx.add.f32.msk $0xffff, v2  }
0x132: {  	[tilespmem:v9+s15+$0x0] =	vst.idx.add.f32.msk $0xffff, v2  }
0x133: {  	[tilespmem:v10+s15+$0x0] =	vst.idx.add.f32.msk $0xffff, v2  }
0x134: {  	s22 =	sadd.s32 $0x80, s22;
	[tilespmem:v11+s15+$0x0] =	vst.idx.add.f32.msk $0xffff, v2  }
0x135: {  	_ =	sdelay $0x3  }
0x136: {  	[tilespmem:v5+s15+$0x0] =	vst.idx.add.f32.msk $0xffff, v2  }
0x137: {  	[tilespmem:v4+s15+$0x0] =	vst.idx.add.f32.msk $0xffff, v2  }
0x138: {  	_ =	swait.ge [sflag:s16], $0x4000  }
0x139: {  	[sflag:s16] =	ssyncset.done $0x0  }
0x13a: {  	s21 =	simm.s32 $0x4040;
	[sflag:s16] =	ssyncadd.s32 $0xFFFFC000  }
0x13b: {  	[tilespmem:s2], [sflag:$0x1] =	stream.linear.gather [hbm4b:s5+s2], $0x4000, $0x38;
	[tilespmem:$0x9000] =	vst v63  }
0x13c: {  	v4 =	vld [tilespmem:s21+$0x30]  }
0x13d: {  	v5 =	vld [tilespmem:s21+$0xFFFFFFD0]  }
0x13e: {  	v6 =	vld [tilespmem:s21+$0xFFFFFFE0]  }
0x13f: {  	v7 =	vld [tilespmem:s21+$0xFFFFFFF0]  }
0x140: {  	v8 =	vld [tilespmem:s21+$0x0]  }
0x141: {  	v9 =	vld [tilespmem:s21+$0x10];
	v4 =	vadd.s32 v0, v4  }
0x142: {  	v5 =	vadd.s32 v0, v5  }
0x143: {  	v6 =	vadd.s32 v0, v6  }
0x144: {  	v10 =	vld [tilespmem:s21+$0x20];
	v7 =	vadd.s32 v0, v7  }
0x145: {  	v11 =	vld [tilespmem:s21+$0xFFFFFFC0];
	v8 =	vadd.s32 v0, v8  }
0x146: {  	v9 =	vadd.s32 v0, v9;
	[tilespmem:v4+s15+$0x0] =	vst.idx.add.f32.msk $0xffff, v2  }
0x147: {  	[tilespmem:v5+s15+$0x0] =	vst.idx.add.f32.msk $0xffff, v2  }
0x148: {  	[tilespmem:v6+s15+$0x0] =	vst.idx.add.f32.msk $0xffff, v2  }
0x149: {  	[tilespmem:v7+s15+$0x0] =	vst.idx.add.f32.msk $0xffff, v2  }
0x14a: {  	[tilespmem:v8+s15+$0x0] =	vst.idx.add.f32.msk $0xffff, v2  }
0x14b: {  	s22 =	simm.s32 $0x40C0;
	s21 =	simm.s32 $0x0;
	v4 =	vadd.s32 v0, v10;
	v5 =	vadd.s32 v0, v11;
	[tilespmem:v9+s15+$0x0] =	vst.idx.add.f32.msk $0xffff, v2  }
.LBB2_4:
0x14c: {  	v6 =	vld [tilespmem:s22+$0x30];
	s21 =	sadd.s32 $0x8, s21  }
0x14d: {  	v7 =	vld [tilespmem:s22+$0xFFFFFFD0];
	p0 =	slt.u32 s21, $0x3F8  }
0x14e: {  	v8 =	vld [tilespmem:s22+$0xFFFFFFE0]  }
0x14f: {  	v9 =	vld [tilespmem:s22+$0xFFFFFFF0]  }
0x150: {  	v10 =	vld [tilespmem:s22+$0x0]  }
0x151: {  	v11 =	vld [tilespmem:s22+$0x10];
	v6 =	vadd.s32 v0, v6  }
0x152: {  	v7 =	vadd.s32 v0, v7;
	v12 =	vld [tilespmem:s22+$0x20]  }
0x153: {  	v13 =	vld [tilespmem:s22+$0xFFFFFFC0];
	v8 =	vadd.s32 v0, v8  }
0x154: {  	v9 =	vadd.s32 v0, v9;
	[tilespmem:v5+s15+$0x0] =	vst.idx.add.f32.msk $0xffff, v2  }
0x155: {  	v10 =	vadd.s32 v0, v10;
	[tilespmem:v4+s15+$0x0] =	vst.idx.add.f32.msk $0xffff, v2  }
0x156: {  	v11 =	vadd.s32 v0, v11;
	[tilespmem:v6+s15+$0x0] =	vst.idx.add.f32.msk $0xffff, v2  }
.Ltmp1:
0x157: {  	[tilespmem:v7+s15+$0x0] =	vst.idx.add.f32.msk $0xffff, v2;
	v4 =	vadd.s32 v0, v12;
	(pc) =	sbr.rel @p0 .LBB2_4-.Ltmp1, $4  }
0x158: {  	v5 =	vadd.s32 v0, v13;
	[tilespmem:v8+s15+$0x0] =	vst.idx.add.f32.msk $0xffff, v2  }
0x159: {  	[tilespmem:v9+s15+$0x0] =	vst.idx.add.f32.msk $0xffff, v2  }
0x15a: {  	[tilespmem:v10+s15+$0x0] =	vst.idx.add.f32.msk $0xffff, v2  }
0x15b: {  	s22 =	sadd.s32 $0x80, s22;
	[tilespmem:v11+s15+$0x0] =	vst.idx.add.f32.msk $0xffff, v2  }
0x15c: {  	_ =	sdelay $0x3  }
0x15d: {  	[tilespmem:v5+s15+$0x0] =	vst.idx.add.f32.msk $0xffff, v2  }
0x15e: {  	[tilespmem:v4+s15+$0x0] =	vst.idx.add.f32.msk $0xffff, v2  }
0x15f: {  	_ =	swait.ge [sflag:s13], $0x4000  }
0x160: {  	[sflag:s13] =	ssyncset.done $0x0  }
0x161: {  	s21 =	simm.s32 $0x40;
	[sflag:s13] =	ssyncadd.s32 $0xFFFFC000  }
0x162: {  	[tilespmem:s14], [sflag:$0x2] =	stream.linear.gather [hbm4b:s6+s2], $0x4000, $0x38;
	[tilespmem:$0x9000] =	vst v63  }
0x163: {  	v4 =	vld [tilespmem:s21+$0x30]  }
0x164: {  	v5 =	vld [tilespmem:s21+$0xFFFFFFD0]  }
0x165: {  	v6 =	vld [tilespmem:s21+$0xFFFFFFE0]  }
0x166: {  	v7 =	vld [tilespmem:s21+$0xFFFFFFF0]  }
0x167: {  	v8 =	vld [tilespmem:s21+$0x0]  }
0x168: {  	v9 =	vld [tilespmem:s21+$0x10];
	v4 =	vadd.s32 v0, v4  }
0x169: {  	v5 =	vadd.s32 v0, v5  }
0x16a: {  	v6 =	vadd.s32 v0, v6  }
0x16b: {  	v10 =	vld [tilespmem:s21+$0x20];
	v7 =	vadd.s32 v0, v7  }
0x16c: {  	v11 =	vld [tilespmem:s21+$0xFFFFFFC0];
	v8 =	vadd.s32 v0, v8  }
0x16d: {  	v9 =	vadd.s32 v0, v9;
	[tilespmem:v4+s15+$0x0] =	vst.idx.add.f32.msk $0xffff, v2  }
0x16e: {  	[tilespmem:v5+s15+$0x0] =	vst.idx.add.f32.msk $0xffff, v2  }
0x16f: {  	[tilespmem:v6+s15+$0x0] =	vst.idx.add.f32.msk $0xffff, v2  }
0x170: {  	[tilespmem:v7+s15+$0x0] =	vst.idx.add.f32.msk $0xffff, v2  }
0x171: {  	[tilespmem:v8+s15+$0x0] =	vst.idx.add.f32.msk $0xffff, v2  }
0x172: {  	s22 =	simm.s32 $0xC0;
	s21 =	simm.s32 $0x0;
	v4 =	vadd.s32 v0, v10;
	v5 =	vadd.s32 v0, v11;
	[tilespmem:v9+s15+$0x0] =	vst.idx.add.f32.msk $0xffff, v2  }
.LBB2_6:
0x173: {  	v6 =	vld [tilespmem:s22+$0x30];
	s21 =	sadd.s32 $0x8, s21  }
0x174: {  	v7 =	vld [tilespmem:s22+$0xFFFFFFD0];
	p0 =	slt.u32 s21, $0x3F8  }
0x175: {  	v8 =	vld [tilespmem:s22+$0xFFFFFFE0]  }
0x176: {  	v9 =	vld [tilespmem:s22+$0xFFFFFFF0]  }
0x177: {  	v10 =	vld [tilespmem:s22+$0x0]  }
0x178: {  	v11 =	vld [tilespmem:s22+$0x10];
	v6 =	vadd.s32 v0, v6  }
0x179: {  	v7 =	vadd.s32 v0, v7;
	v12 =	vld [tilespmem:s22+$0x20]  }
0x17a: {  	v13 =	vld [tilespmem:s22+$0xFFFFFFC0];
	v8 =	vadd.s32 v0, v8  }
0x17b: {  	v9 =	vadd.s32 v0, v9;
	[tilespmem:v5+s15+$0x0] =	vst.idx.add.f32.msk $0xffff, v2  }
0x17c: {  	v10 =	vadd.s32 v0, v10;
	[tilespmem:v4+s15+$0x0] =	vst.idx.add.f32.msk $0xffff, v2  }
0x17d: {  	v11 =	vadd.s32 v0, v11;
	[tilespmem:v6+s15+$0x0] =	vst.idx.add.f32.msk $0xffff, v2  }
.Ltmp2:
0x17e: {  	[tilespmem:v7+s15+$0x0] =	vst.idx.add.f32.msk $0xffff, v2;
	v4 =	vadd.s32 v0, v12;
	(pc) =	sbr.rel @p0 .LBB2_6-.Ltmp2, $4  }
0x17f: {  	v5 =	vadd.s32 v0, v13;
	[tilespmem:v8+s15+$0x0] =	vst.idx.add.f32.msk $0xffff, v2  }
0x180: {  	[tilespmem:v9+s15+$0x0] =	vst.idx.add.f32.msk $0xffff, v2  }
0x181: {  	[tilespmem:v10+s15+$0x0] =	vst.idx.add.f32.msk $0xffff, v2  }
0x182: {  	s22 =	sadd.s32 $0x80, s22;
	[tilespmem:v11+s15+$0x0] =	vst.idx.add.f32.msk $0xffff, v2  }
0x183: {  	_ =	sdelay $0x3  }
0x184: {  	[tilespmem:v5+s15+$0x0] =	vst.idx.add.f32.msk $0xffff, v2  }
0x185: {  	[tilespmem:v4+s15+$0x0] =	vst.idx.add.f32.msk $0xffff, v2  }
0x186: {  	_ =	swait.ge [sflag:s16], $0x4000  }
0x187: {  	[sflag:s16] =	ssyncset.done $0x0  }
0x188: {  	s21 =	simm.s32 $0x4040;
	[sflag:s16] =	ssyncadd.s32 $0xFFFFC000  }
0x189: {  	[tilespmem:s2], [sflag:$0x1] =	stream.linear.gather [hbm4b:s7+s2], $0x4000, $0x38;
	[tilespmem:$0x9000] =	vst v63  }
0x18a: {  	v4 =	vld [tilespmem:s21+$0x30]  }
0x18b: {  	v5 =	vld [tilespmem:s21+$0xFFFFFFD0]  }
0x18c: {  	v6 =	vld [tilespmem:s21+$0xFFFFFFE0]  }
0x18d: {  	v7 =	vld [tilespmem:s21+$0xFFFFFFF0]  }
0x18e: {  	v8 =	vld [tilespmem:s21+$0x0]  }
0x18f: {  	v9 =	vld [tilespmem:s21+$0x10];
	v4 =	vadd.s32 v0, v4  }
0x190: {  	v5 =	vadd.s32 v0, v5  }
0x191: {  	v6 =	vadd.s32 v0, v6  }
0x192: {  	v10 =	vld [tilespmem:s21+$0x20];
	v7 =	vadd.s32 v0, v7  }
0x193: {  	v11 =	vld [tilespmem:s21+$0xFFFFFFC0];
	v8 =	vadd.s32 v0, v8  }
0x194: {  	v9 =	vadd.s32 v0, v9;
	[tilespmem:v4+s15+$0x0] =	vst.idx.add.f32.msk $0xffff, v2  }
0x195: {  	[tilespmem:v5+s15+$0x0] =	vst.idx.add.f32.msk $0xffff, v2  }
0x196: {  	[tilespmem:v6+s15+$0x0] =	vst.idx.add.f32.msk $0xffff, v2  }
0x197: {  	[tilespmem:v7+s15+$0x0] =	vst.idx.add.f32.msk $0xffff, v2  }
0x198: {  	[tilespmem:v8+s15+$0x0] =	vst.idx.add.f32.msk $0xffff, v2  }
0x199: {  	s22 =	simm.s32 $0x40C0;
	s21 =	simm.s32 $0x0;
	v4 =	vadd.s32 v0, v10;
	v5 =	vadd.s32 v0, v11;
	[tilespmem:v9+s15+$0x0] =	vst.idx.add.f32.msk $0xffff, v2  }
.LBB2_8:
0x19a: {  	v6 =	vld [tilespmem:s22+$0x30];
	s21 =	sadd.s32 $0x8, s21  }
0x19b: {  	v7 =	vld [tilespmem:s22+$0xFFFFFFD0];
	p0 =	slt.u32 s21, $0x3F8  }
0x19c: {  	v8 =	vld [tilespmem:s22+$0xFFFFFFE0]  }
0x19d: {  	v9 =	vld [tilespmem:s22+$0xFFFFFFF0]  }
0x19e: {  	v10 =	vld [tilespmem:s22+$0x0]  }
0x19f: {  	v11 =	vld [tilespmem:s22+$0x10];
	v6 =	vadd.s32 v0, v6  }
0x1a0: {  	v7 =	vadd.s32 v0, v7;
	v12 =	vld [tilespmem:s22+$0x20]  }
0x1a1: {  	v13 =	vld [tilespmem:s22+$0xFFFFFFC0];
	v8 =	vadd.s32 v0, v8  }
0x1a2: {  	v9 =	vadd.s32 v0, v9;
	[tilespmem:v5+s15+$0x0] =	vst.idx.add.f32.msk $0xffff, v2  }
0x1a3: {  	v10 =	vadd.s32 v0, v10;
	[tilespmem:v4+s15+$0x0] =	vst.idx.add.f32.msk $0xffff, v2  }
0x1a4: {  	v11 =	vadd.s32 v0, v11;
	[tilespmem:v6+s15+$0x0] =	vst.idx.add.f32.msk $0xffff, v2  }
.Ltmp3:
0x1a5: {  	[tilespmem:v7+s15+$0x0] =	vst.idx.add.f32.msk $0xffff, v2;
	v4 =	vadd.s32 v0, v12;
	(pc) =	sbr.rel @p0 .LBB2_8-.Ltmp3, $4  }
0x1a6: {  	v5 =	vadd.s32 v0, v13;
	[tilespmem:v8+s15+$0x0] =	vst.idx.add.f32.msk $0xffff, v2  }
0x1a7: {  	[tilespmem:v9+s15+$0x0] =	vst.idx.add.f32.msk $0xffff, v2  }
0x1a8: {  	[tilespmem:v10+s15+$0x0] =	vst.idx.add.f32.msk $0xffff, v2  }
0x1a9: {  	s22 =	sadd.s32 $0x80, s22;
	[tilespmem:v11+s15+$0x0] =	vst.idx.add.f32.msk $0xffff, v2  }
0x1aa: {  	_ =	sdelay $0x3  }
0x1ab: {  	[tilespmem:v5+s15+$0x0] =	vst.idx.add.f32.msk $0xffff, v2  }
0x1ac: {  	[tilespmem:v4+s15+$0x0] =	vst.idx.add.f32.msk $0xffff, v2  }
0x1ad: {  	_ =	swait.ge [sflag:s13], $0x4000  }
0x1ae: {  	[sflag:s13] =	ssyncset.done $0x0  }
0x1af: {  	s21 =	simm.s32 $0x40;
	[sflag:s13] =	ssyncadd.s32 $0xFFFFC000  }
0x1b0: {  	[tilespmem:s14], [sflag:$0x2] =	stream.linear.gather [hbm4b:s8+s2], $0x4000, $0x38;
	[tilespmem:$0x9000] =	vst v63  }
0x1b1: {  	v4 =	vld [tilespmem:s21+$0x30]  }
0x1b2: {  	v5 =	vld [tilespmem:s21+$0xFFFFFFD0]  }
0x1b3: {  	v6 =	vld [tilespmem:s21+$0xFFFFFFE0]  }
0x1b4: {  	v7 =	vld [tilespmem:s21+$0xFFFFFFF0]  }
0x1b5: {  	v8 =	vld [tilespmem:s21+$0x0]  }
0x1b6: {  	v9 =	vld [tilespmem:s21+$0x10];
	v4 =	vadd.s32 v3, v4  }
0x1b7: {  	v5 =	vadd.s32 v3, v5  }
0x1b8: {  	v6 =	vadd.s32 v3, v6  }
0x1b9: {  	v10 =	vld [tilespmem:s21+$0x20];
	v7 =	vadd.s32 v3, v7  }
0x1ba: {  	v11 =	vld [tilespmem:s21+$0xFFFFFFC0];
	v8 =	vadd.s32 v3, v8  }
0x1bb: {  	v9 =	vadd.s32 v3, v9;
	[tilespmem:v4+s15+$0x0] =	vst.idx.add.f32.msk $0xffff, v2  }
0x1bc: {  	[tilespmem:v5+s15+$0x0] =	vst.idx.add.f32.msk $0xffff, v2  }
0x1bd: {  	[tilespmem:v6+s15+$0x0] =	vst.idx.add.f32.msk $0xffff, v2  }
0x1be: {  	[tilespmem:v7+s15+$0x0] =	vst.idx.add.f32.msk $0xffff, v2  }
0x1bf: {  	[tilespmem:v8+s15+$0x0] =	vst.idx.add.f32.msk $0xffff, v2  }
0x1c0: {  	s22 =	simm.s32 $0xC0;
	s21 =	simm.s32 $0x0;
	v4 =	vadd.s32 v3, v10;
	v5 =	vadd.s32 v3, v11;
	[tilespmem:v9+s15+$0x0] =	vst.idx.add.f32.msk $0xffff, v2  }
.LBB2_10:
0x1c1: {  	v6 =	vld [tilespmem:s22+$0x30];
	s21 =	sadd.s32 $0x8, s21  }
0x1c2: {  	v7 =	vld [tilespmem:s22+$0xFFFFFFD0];
	p0 =	slt.u32 s21, $0x3F8  }
0x1c3: {  	v8 =	vld [tilespmem:s22+$0xFFFFFFE0]  }
0x1c4: {  	v9 =	vld [tilespmem:s22+$0xFFFFFFF0]  }
0x1c5: {  	v10 =	vld [tilespmem:s22+$0x0]  }
0x1c6: {  	v11 =	vld [tilespmem:s22+$0x10];
	v6 =	vadd.s32 v3, v6  }
0x1c7: {  	v7 =	vadd.s32 v3, v7;
	v12 =	vld [tilespmem:s22+$0x20]  }
0x1c8: {  	v13 =	vld [tilespmem:s22+$0xFFFFFFC0];
	v8 =	vadd.s32 v3, v8  }
0x1c9: {  	v9 =	vadd.s32 v3, v9;
	[tilespmem:v5+s15+$0x0] =	vst.idx.add.f32.msk $0xffff, v2  }
0x1ca: {  	v10 =	vadd.s32 v3, v10;
	[tilespmem:v4+s15+$0x0] =	vst.idx.add.f32.msk $0xffff, v2  }
0x1cb: {  	v11 =	vadd.s32 v3, v11;
	[tilespmem:v6+s15+$0x0] =	vst.idx.add.f32.msk $0xffff, v2  }
.Ltmp4:
0x1cc: {  	[tilespmem:v7+s15+$0x0] =	vst.idx.add.f32.msk $0xffff, v2;
	v4 =	vadd.s32 v3, v12;
	(pc) =	sbr.rel @p0 .LBB2_10-.Ltmp4, $4  }
0x1cd: {  	v5 =	vadd.s32 v3, v13;
	[tilespmem:v8+s15+$0x0] =	vst.idx.add.f32.msk $0xffff, v2  }
0x1ce: {  	[tilespmem:v9+s15+$0x0] =	vst.idx.add.f32.msk $0xffff, v2  }
0x1cf: {  	[tilespmem:v10+s15+$0x0] =	vst.idx.add.f32.msk $0xffff, v2  }
0x1d0: {  	s22 =	sadd.s32 $0x80, s22;
	[tilespmem:v11+s15+$0x0] =	vst.idx.add.f32.msk $0xffff, v2  }
0x1d1: {  	_ =	sdelay $0x3  }
0x1d2: {  	[tilespmem:v5+s15+$0x0] =	vst.idx.add.f32.msk $0xffff, v2  }
0x1d3: {  	[tilespmem:v4+s15+$0x0] =	vst.idx.add.f32.msk $0xffff, v2  }
0x1d4: {  	_ =	swait.ge [sflag:s16], $0x4000  }
0x1d5: {  	[sflag:s16] =	ssyncset.done $0x0  }
0x1d6: {  	s21 =	simm.s32 $0x4040;
	[sflag:s16] =	ssyncadd.s32 $0xFFFFC000  }
0x1d7: {  	[tilespmem:s2], [sflag:$0x1] =	stream.linear.gather [hbm4b:s9+s2], $0x4000, $0x38;
	[tilespmem:$0x9000] =	vst v63  }
0x1d8: {  	v4 =	vld [tilespmem:s21+$0x30]  }
0x1d9: {  	v5 =	vld [tilespmem:s21+$0xFFFFFFD0]  }
0x1da: {  	v6 =	vld [tilespmem:s21+$0xFFFFFFE0]  }
0x1db: {  	v7 =	vld [tilespmem:s21+$0xFFFFFFF0]  }
0x1dc: {  	v8 =	vld [tilespmem:s21+$0x0]  }
0x1dd: {  	v9 =	vld [tilespmem:s21+$0x10];
	v4 =	vadd.s32 v3, v4  }
0x1de: {  	v5 =	vadd.s32 v3, v5  }
0x1df: {  	v6 =	vadd.s32 v3, v6  }
0x1e0: {  	v10 =	vld [tilespmem:s21+$0x20];
	v7 =	vadd.s32 v3, v7  }
0x1e1: {  	v11 =	vld [tilespmem:s21+$0xFFFFFFC0];
	v8 =	vadd.s32 v3, v8  }
0x1e2: {  	v9 =	vadd.s32 v3, v9;
	[tilespmem:v4+s15+$0x0] =	vst.idx.add.f32.msk $0xffff, v2  }
0x1e3: {  	[tilespmem:v5+s15+$0x0] =	vst.idx.add.f32.msk $0xffff, v2  }
0x1e4: {  	[tilespmem:v6+s15+$0x0] =	vst.idx.add.f32.msk $0xffff, v2  }
0x1e5: {  	[tilespmem:v7+s15+$0x0] =	vst.idx.add.f32.msk $0xffff, v2  }
0x1e6: {  	[tilespmem:v8+s15+$0x0] =	vst.idx.add.f32.msk $0xffff, v2  }
0x1e7: {  	s22 =	simm.s32 $0x40C0;
	s21 =	simm.s32 $0x0;
	v4 =	vadd.s32 v3, v10;
	v5 =	vadd.s32 v3, v11;
	[tilespmem:v9+s15+$0x0] =	vst.idx.add.f32.msk $0xffff, v2  }
.LBB2_12:
0x1e8: {  	v6 =	vld [tilespmem:s22+$0x30];
	s21 =	sadd.s32 $0x8, s21  }
0x1e9: {  	v7 =	vld [tilespmem:s22+$0xFFFFFFD0];
	p0 =	slt.u32 s21, $0x3F8  }
0x1ea: {  	v8 =	vld [tilespmem:s22+$0xFFFFFFE0]  }
0x1eb: {  	v9 =	vld [tilespmem:s22+$0xFFFFFFF0]  }
0x1ec: {  	v10 =	vld [tilespmem:s22+$0x0]  }
0x1ed: {  	v11 =	vld [tilespmem:s22+$0x10];
	v6 =	vadd.s32 v3, v6  }
0x1ee: {  	v7 =	vadd.s32 v3, v7;
	v12 =	vld [tilespmem:s22+$0x20]  }
0x1ef: {  	v13 =	vld [tilespmem:s22+$0xFFFFFFC0];
	v8 =	vadd.s32 v3, v8  }
0x1f0: {  	v9 =	vadd.s32 v3, v9;
	[tilespmem:v5+s15+$0x0] =	vst.idx.add.f32.msk $0xffff, v2  }
0x1f1: {  	v10 =	vadd.s32 v3, v10;
	[tilespmem:v4+s15+$0x0] =	vst.idx.add.f32.msk $0xffff, v2  }
0x1f2: {  	v11 =	vadd.s32 v3, v11;
	[tilespmem:v6+s15+$0x0] =	vst.idx.add.f32.msk $0xffff, v2  }
.Ltmp5:
0x1f3: {  	[tilespmem:v7+s15+$0x0] =	vst.idx.add.f32.msk $0xffff, v2;
	v4 =	vadd.s32 v3, v12;
	(pc) =	sbr.rel @p0 .LBB2_12-.Ltmp5, $4  }
0x1f4: {  	v5 =	vadd.s32 v3, v13;
	[tilespmem:v8+s15+$0x0] =	vst.idx.add.f32.msk $0xffff, v2  }
0x1f5: {  	[tilespmem:v9+s15+$0x0] =	vst.idx.add.f32.msk $0xffff, v2  }
0x1f6: {  	[tilespmem:v10+s15+$0x0] =	vst.idx.add.f32.msk $0xffff, v2  }
0x1f7: {  	s22 =	sadd.s32 $0x80, s22;
	[tilespmem:v11+s15+$0x0] =	vst.idx.add.f32.msk $0xffff, v2  }
0x1f8: {  	_ =	sdelay $0x3  }
0x1f9: {  	[tilespmem:v5+s15+$0x0] =	vst.idx.add.f32.msk $0xffff, v2  }
0x1fa: {  	[tilespmem:v4+s15+$0x0] =	vst.idx.add.f32.msk $0xffff, v2  }
0x1fb: {  	_ =	swait.ge [sflag:s13], $0x4000  }
0x1fc: {  	[sflag:s13] =	ssyncset.done $0x0  }
0x1fd: {  	s21 =	simm.s32 $0x40;
	[sflag:s13] =	ssyncadd.s32 $0xFFFFC000  }
0x1fe: {  	[tilespmem:s14], [sflag:$0x2] =	stream.linear.gather [hbm4b:s10+s2], $0x4000, $0x38;
	[tilespmem:$0x9000] =	vst v63  }
0x1ff: {  	v4 =	vld [tilespmem:s21+$0x30]  }
0x200: {  	v5 =	vld [tilespmem:s21+$0xFFFFFFD0]  }
0x201: {  	v6 =	vld [tilespmem:s21+$0xFFFFFFE0]  }
0x202: {  	v7 =	vld [tilespmem:s21+$0xFFFFFFF0]  }
0x203: {  	v8 =	vld [tilespmem:s21+$0x0]  }
0x204: {  	v9 =	vld [tilespmem:s21+$0x10];
	v4 =	vadd.s32 v3, v4  }
0x205: {  	v5 =	vadd.s32 v3, v5  }
0x206: {  	v6 =	vadd.s32 v3, v6  }
0x207: {  	v10 =	vld [tilespmem:s21+$0x20];
	v7 =	vadd.s32 v3, v7  }
0x208: {  	v11 =	vld [tilespmem:s21+$0xFFFFFFC0];
	v8 =	vadd.s32 v3, v8  }
0x209: {  	v9 =	vadd.s32 v3, v9;
	[tilespmem:v4+s15+$0x0] =	vst.idx.add.f32.msk $0xffff, v2  }
0x20a: {  	[tilespmem:v5+s15+$0x0] =	vst.idx.add.f32.msk $0xffff, v2  }
0x20b: {  	[tilespmem:v6+s15+$0x0] =	vst.idx.add.f32.msk $0xffff, v2  }
0x20c: {  	[tilespmem:v7+s15+$0x0] =	vst.idx.add.f32.msk $0xffff, v2  }
0x20d: {  	[tilespmem:v8+s15+$0x0] =	vst.idx.add.f32.msk $0xffff, v2  }
0x20e: {  	s22 =	simm.s32 $0xC0;
	s21 =	simm.s32 $0x0;
	v4 =	vadd.s32 v3, v10;
	v5 =	vadd.s32 v3, v11;
	[tilespmem:v9+s15+$0x0] =	vst.idx.add.f32.msk $0xffff, v2  }
.LBB2_14:
0x20f: {  	v6 =	vld [tilespmem:s22+$0x30];
	s21 =	sadd.s32 $0x8, s21  }
0x210: {  	v7 =	vld [tilespmem:s22+$0xFFFFFFD0];
	p0 =	slt.u32 s21, $0x3F8  }
0x211: {  	v8 =	vld [tilespmem:s22+$0xFFFFFFE0]  }
0x212: {  	v9 =	vld [tilespmem:s22+$0xFFFFFFF0]  }
0x213: {  	v10 =	vld [tilespmem:s22+$0x0]  }
0x214: {  	v11 =	vld [tilespmem:s22+$0x10];
	v6 =	vadd.s32 v3, v6  }
0x215: {  	v7 =	vadd.s32 v3, v7;
	v12 =	vld [tilespmem:s22+$0x20]  }
0x216: {  	v13 =	vld [tilespmem:s22+$0xFFFFFFC0];
	v8 =	vadd.s32 v3, v8  }
0x217: {  	v9 =	vadd.s32 v3, v9;
	[tilespmem:v5+s15+$0x0] =	vst.idx.add.f32.msk $0xffff, v2  }
0x218: {  	v10 =	vadd.s32 v3, v10;
	[tilespmem:v4+s15+$0x0] =	vst.idx.add.f32.msk $0xffff, v2  }
0x219: {  	v11 =	vadd.s32 v3, v11;
	[tilespmem:v6+s15+$0x0] =	vst.idx.add.f32.msk $0xffff, v2  }
.Ltmp6:
0x21a: {  	[tilespmem:v7+s15+$0x0] =	vst.idx.add.f32.msk $0xffff, v2;
	v4 =	vadd.s32 v3, v12;
	(pc) =	sbr.rel @p0 .LBB2_14-.Ltmp6, $4  }
0x21b: {  	v5 =	vadd.s32 v3, v13;
	[tilespmem:v8+s15+$0x0] =	vst.idx.add.f32.msk $0xffff, v2  }
0x21c: {  	[tilespmem:v9+s15+$0x0] =	vst.idx.add.f32.msk $0xffff, v2  }
0x21d: {  	[tilespmem:v10+s15+$0x0] =	vst.idx.add.f32.msk $0xffff, v2  }
0x21e: {  	s22 =	sadd.s32 $0x80, s22;
	[tilespmem:v11+s15+$0x0] =	vst.idx.add.f32.msk $0xffff, v2  }
0x21f: {  	_ =	sdelay $0x3  }
0x220: {  	[tilespmem:v5+s15+$0x0] =	vst.idx.add.f32.msk $0xffff, v2  }
0x221: {  	[tilespmem:v4+s15+$0x0] =	vst.idx.add.f32.msk $0xffff, v2  }
0x222: {  	_ =	swait.ge [sflag:s16], $0x4000  }
0x223: {  	[sflag:s16] =	ssyncset.done $0x0  }
0x224: {  	s21 =	simm.s32 $0x4040;
	[sflag:s16] =	ssyncadd.s32 $0xFFFFC000  }
0x225: {  	v4 =	vld [tilespmem:s21+$0x30]  }
0x226: {  	v5 =	vld [tilespmem:s21+$0xFFFFFFD0]  }
0x227: {  	v6 =	vld [tilespmem:s21+$0xFFFFFFE0]  }
0x228: {  	v7 =	vld [tilespmem:s21+$0xFFFFFFF0]  }
0x229: {  	v8 =	vld [tilespmem:s21+$0x0]  }
0x22a: {  	v9 =	vld [tilespmem:s21+$0x10];
	v4 =	vadd.s32 v3, v4  }
0x22b: {  	v5 =	vadd.s32 v3, v5  }
0x22c: {  	v6 =	vadd.s32 v3, v6  }
0x22d: {  	v10 =	vld [tilespmem:s21+$0x20];
	v7 =	vadd.s32 v3, v7  }
0x22e: {  	v11 =	vld [tilespmem:s21+$0xFFFFFFC0];
	v8 =	vadd.s32 v3, v8  }
0x22f: {  	v9 =	vadd.s32 v3, v9;
	[tilespmem:v4+s15+$0x0] =	vst.idx.add.f32.msk $0xffff, v2  }
0x230: {  	[tilespmem:v5+s15+$0x0] =	vst.idx.add.f32.msk $0xffff, v2  }
0x231: {  	[tilespmem:v6+s15+$0x0] =	vst.idx.add.f32.msk $0xffff, v2  }
0x232: {  	[tilespmem:v7+s15+$0x0] =	vst.idx.add.f32.msk $0xffff, v2  }
0x233: {  	[tilespmem:v8+s15+$0x0] =	vst.idx.add.f32.msk $0xffff, v2  }
0x234: {  	s22 =	simm.s32 $0x40C0;
	s21 =	simm.s32 $0x0;
	v4 =	vadd.s32 v3, v10;
	v5 =	vadd.s32 v3, v11;
	[tilespmem:v9+s15+$0x0] =	vst.idx.add.f32.msk $0xffff, v2  }
.LBB2_16:
0x235: {  	v6 =	vld [tilespmem:s22+$0x30];
	s21 =	sadd.s32 $0x8, s21  }
0x236: {  	v7 =	vld [tilespmem:s22+$0xFFFFFFD0];
	p0 =	slt.u32 s21, $0x3F8  }
0x237: {  	v8 =	vld [tilespmem:s22+$0xFFFFFFE0]  }
0x238: {  	v9 =	vld [tilespmem:s22+$0xFFFFFFF0]  }
0x239: {  	v10 =	vld [tilespmem:s22+$0x0]  }
0x23a: {  	v11 =	vld [tilespmem:s22+$0x10];
	v6 =	vadd.s32 v3, v6  }
0x23b: {  	v7 =	vadd.s32 v3, v7;
	v12 =	vld [tilespmem:s22+$0x20]  }
0x23c: {  	v13 =	vld [tilespmem:s22+$0xFFFFFFC0];
	v8 =	vadd.s32 v3, v8  }
0x23d: {  	v9 =	vadd.s32 v3, v9;
	[tilespmem:v5+s15+$0x0] =	vst.idx.add.f32.msk $0xffff, v2  }
0x23e: {  	v10 =	vadd.s32 v3, v10;
	[tilespmem:v4+s15+$0x0] =	vst.idx.add.f32.msk $0xffff, v2  }
0x23f: {  	v11 =	vadd.s32 v3, v11;
	[tilespmem:v6+s15+$0x0] =	vst.idx.add.f32.msk $0xffff, v2  }
.Ltmp7:
0x240: {  	[tilespmem:v7+s15+$0x0] =	vst.idx.add.f32.msk $0xffff, v2;
	v4 =	vadd.s32 v3, v12;
	(pc) =	sbr.rel @p0 .LBB2_16-.Ltmp7, $4  }
0x241: {  	v5 =	vadd.s32 v3, v13;
	[tilespmem:v8+s15+$0x0] =	vst.idx.add.f32.msk $0xffff, v2  }
0x242: {  	[tilespmem:v9+s15+$0x0] =	vst.idx.add.f32.msk $0xffff, v2  }
0x243: {  	[tilespmem:v10+s15+$0x0] =	vst.idx.add.f32.msk $0xffff, v2  }
0x244: {  	s22 =	sadd.s32 $0x80, s22;
	[tilespmem:v11+s15+$0x0] =	vst.idx.add.f32.msk $0xffff, v2  }
0x245: {  	_ =	sdelay $0x2  }
0x246: {  	s20 =	sadd.s32 $0x1, s20  }
0x247: {  	[tilespmem:v5+s15+$0x0] =	vst.idx.add.f32.msk $0xffff, v2;
	p0 =	sne.s32 s20, s12  }
.Ltmp8:
0x248: {  	[tilespmem:v4+s15+$0x0] =	vst.idx.add.f32.msk $0xffff, v2;
	(pc) =	sbr.rel @p0 .LBB2_1-.Ltmp8, $4  }
0x249: {  	[hbm4b:s11+s17] =	stream.strided.scatter [tilespmem:s15], [sflag:$0x3], $0x1000, s18, s17, $0x38;
	[tilespmem:$0x9000] =	vst v63  }
0x24a: {  	_ =	swait.ge [sflag:s19], $0x1000  }
0x24b: {  	[sflag:s19] =	ssyncset.done $0x0  }
0x24c: {  	[sflag:s19] =	ssyncadd.s32 $0xFFFFF000  }
0x24d: {  	_ =	sfence.sel $0x180000  }
0x24e: {  	[bflag:$0x0] =	sbarrier.arrive $0xFFFF  }
0x24f: {  	p0 =	sne.s32 s1, $0x0;
	_ =	strace $0x90000047  }
0x250: {  	s0 =	sadd.s32 @!p0 $0x100000, s0;
	[bflag:$0x2] =	sbarrier.arrive $0xFFFF  }
0x251: {  	[sflag:s0] =	ssyncadd.tile.s32 @!p0 $0x1;
	_ =	shalt  }
.Lfunc_end2:
_tile_overlayer_lowered:
.L_overlay_start_2:
0x252: {  	(tag) =	ssettag $0x2  }
0x253: {  	s0 =	rddreg [dreg:$0x0];
	s2 =	stileid.u32  }
0x254: {  	s1 =	rddreg [dreg:$0x1];
	p0 =	sne.s32 s2, $0x0  }
0x255: {  	s3 =	rddreg [dreg:$0x2];
	[bflag:$0x3] =	sbarrier.arrive $0xFFFF;
	s2 =	simm.s32 @!p0 $0x1C03  }
0x256: {  	[timem:s3], [sflag:s2] =	dma.local @!p0 [hbm:s0], s1  }
0x257: {  	s0 =	simm.s32 @!p0 $0x3  }
0x258: {  	_ =	swait.ge @!p0 [sflag:s0], s1  }
0x259: {  	s1 =	ssub.s32 @!p0 $0x0, s1;
	[sflag:s0] =	ssyncset.done @!p0 $0x0  }
0x25a: {  	[sflag:s0] =	ssyncadd.s32 @!p0 s1  }
0x25b: {  	[bflag:$0x3] =	sbarrier.arrive $0xFFFF  }
0x25c: {  	_ =	shalt  }

</sc_bundles>
